<compile_context>
chip_gen: v7x
topology: tpu7x:2x2x1
jax: 0.10.2.dev20260603
libtpu: 0.0.44.dev20260713+nightly
codegen_flags: <defaults>
</compile_context>

<pallas_src>
import functools

import jax
import jax.numpy as jnp
from jax import lax
from jax.experimental import pallas as pl
from jax.experimental.pallas import tpu as pltpu
from jax.experimental.pallas import tpu_sc as plsc

N = 10000
E = 320000
D = 128
H = 64
DW = D // 2
NC = 2
NS = 16
NW = NC * NS
EPW = E // NW
K = 80
NCHUNK = EPW // K
L = 16
RPT = (N // NS) // 8 * 8
RTAIL = N - NS * RPT


def _bf16_bits(v):
    u = lax.bitcast_convert_type(v, jnp.uint32)
    return (u + jnp.uint32(0x8000)) >> 16


def _prep_body(y_ref, t_ref, x_ref, w_ref, b_ref,
               p_ref, q_ref, gh_ref, base_ref):
    x = x_ref[...]
    w = w_ref[...]
    xt = lax.dot_general(x, w[:D, :], (((1,), (0,)), ((), ())),
                         preferred_element_type=jnp.float32)
    z = lax.dot_general(x, w[D:, :], (((1,), (0,)), ((), ())),
                        preferred_element_type=jnp.float32) + b_ref[...]
    lane = lax.broadcasted_iota(jnp.int32, (N, D), 1)
    is_mu = lane < H
    ext = jnp.exp(xt) - 1.0
    ez = jnp.exp(z) - 1.0
    p_ref[...] = jnp.where(is_mu, xt, ext)
    q_ref[...] = jnp.where(is_mu, 2.0 * z, ez)
    g = jnp.sum(jnp.where(is_mu, xt * xt, ext - xt), axis=1, keepdims=True)
    h = jnp.sum(jnp.where(is_mu, z * z, ez - z), axis=1, keepdims=True)
    gh_ref[...] = lax.bitcast_convert_type(
        _bf16_bits(g) | (_bf16_bits(h) << 16), jnp.int32)
    base_ref[...] = jnp.reshape(jnp.sum(jnp.abs(y_ref[...] - t_ref[...])), (1, 1))


_prep = pl.pallas_call(
    _prep_body,
    out_shape=[
        jax.ShapeDtypeStruct((N, D), jnp.float32),
        jax.ShapeDtypeStruct((N, D), jnp.float32),
        jax.ShapeDtypeStruct((N, 1), jnp.int32),
        jax.ShapeDtypeStruct((1, 1), jnp.float32),
    ],
)


def _final_body(p_ref, s_ref, part_ref, base_ref, out_ref):
    s = s_ref[0].astype(jnp.float32) + s_ref[1].astype(jnp.float32)
    edge_sum = jnp.sum(p_ref[...] * s) + jnp.sum(part_ref[...])
    tot = base_ref[0, 0] / N + 0.5 * edge_sum / E
    out_ref[...] = jnp.reshape(tot, (1, 1))


_final = pl.pallas_call(
    _final_body,
    out_shape=jax.ShapeDtypeStruct((1, 1), jnp.float32),
)


@functools.cache
def _make_edge_kernel():
    @functools.partial(
        pl.kernel,
        mesh=plsc.VectorSubcoreMesh(core_axis_name="c", subcore_axis_name="s"),
        out_type=[
            jax.ShapeDtypeStruct((NW, L), jnp.float32),
            jax.ShapeDtypeStruct((NC, N, D), jnp.bfloat16),
        ],
        compiler_params=pltpu.CompilerParams(needs_layout_passes=False,
                                             use_tc_tiling_on_sc=False),
        scratch_types=[
            pltpu.VMEM((EPW,), jnp.int32),
            pltpu.VMEM((EPW,), jnp.int32),
            pltpu.VMEM((K, DW), jnp.int32),
            pltpu.VMEM((K, DW), jnp.int32),
            pltpu.VMEM((K, D), jnp.bfloat16),
            pltpu.VMEM((K, D), jnp.bfloat16),
            pltpu.VMEM_SHARED((N, D), jnp.bfloat16),
            pltpu.VMEM((N,), jnp.int32),
            pltpu.VMEM((L,), jnp.float32),
            pltpu.SemaphoreType.DMA,
            pltpu.SemaphoreType.DMA,
            pltpu.SemaphoreType.DMA,
            pltpu.SemaphoreType.DMA,
        ],
    )
    def _edge_kernel(ei_hbm, qpk_hbm, gh_hbm,
                     out_hbm, s_out_hbm,
                     idx_s, idx_d, qp0, qp1, qb0, qb1, s_sh,
                     gh_v, accv, sg0, sg1, sw0, sw1):
        sid = lax.axis_index("s")
        cid = lax.axis_index("c")
        wid = sid * NC + cid
        base = wid * EPW
        pltpu.sync_copy(ei_hbm.at[0, pl.ds(base, EPW)], idx_s)
        pltpu.sync_copy(ei_hbm.at[1, pl.ds(base, EPW)], idx_d)
        pltpu.sync_copy(gh_hbm, gh_v)

        qp = (qp0, qp1)
        qb = (qb0, qb1)
        sg = (sg0, sg1)
        sw = (sw0, sw1)

        def zrow(r, _):
            for c in range(D // 32):
                qb0[r, pl.ds(c * 32, 32)] = jnp.zeros((32,), jnp.bfloat16)
            return 0

        lax.fori_loop(0, K, zrow, 0)
        t0 = sid * RPT
        for j in range(RPT // K):
            pltpu.sync_copy(qb0.at[pl.ds(0, K)], s_sh.at[pl.ds(t0 + j * K, K)])
        rem = RPT - (RPT // K) * K
        if rem:
            pltpu.sync_copy(qb0.at[pl.ds(0, rem)],
                            s_sh.at[pl.ds(t0 + (RPT // K) * K, rem)])

        @pl.when(sid == 0)
        def _zero_tail():
            pltpu.sync_copy(qb0.at[pl.ds(0, RTAIL)],
                            s_sh.at[pl.ds(NS * RPT, RTAIL)])

        plsc.subcore_barrier()

        def fire_g(ci, b):
            pltpu.async_copy(qpk_hbm.at[idx_d.at[pl.ds(ci * K, K)]],
                             qp[b], sg[b])

        def drain_g(ci, b):
            pltpu.make_async_copy(qpk_hbm.at[idx_d.at[pl.ds(ci * K, K)]],
                                  qp[b], sg[b]).wait()

        def fire_s(ci, b):
            pltpu.async_copy(qb[b], s_sh.at[idx_s.at[pl.ds(ci * K, K)]],
                             sw[b], add=True)

        def drain_s(ci, b):
            pltpu.make_async_copy(qb[b], s_sh.at[idx_s.at[pl.ds(ci * K, K)]],
                                  sw[b]).wait()

        def convert(b):
            def crow(e, _):
                for c in range(DW // L):
                    w = qp[b][e, pl.ds(c * L, L)]
                    qb[b][e, pl.ds(c * 2 * L, 2 * L)] = plsc.bitcast(
                        w, jnp.bfloat16)
                return 0

            lax.fori_loop(0, K, crow, 0)

        def gh_acc(ci, acc):
            def gh_body(t, a):
                iv_s = idx_s[pl.ds(ci * K + t * L, L)]
                iv_d = idx_d[pl.ds(ci * K + t * L, L)]
                w_s = plsc.load_gather(gh_v, [iv_s])
                w_d = plsc.load_gather(gh_v, [iv_d])
                g_s = plsc.bitcast(w_s << 16, jnp.float32)
                h_d = plsc.bitcast(w_d & jnp.int32(-65536), jnp.float32)
                return a + g_s + h_d

            return lax.fori_loop(0, K // L, gh_body, acc)

        def step(ci, b, acc):
            drain_g(ci, b)
            convert(b)
            fire_s(ci, b)
            acc = gh_acc(ci, acc)

            @pl.when(ci + 2 < NCHUNK)
            def _refire():
                fire_g(ci + 2, b)

            return acc

        fire_g(0, 0)
        fire_g(1, 1)

        def pair_body(i, acc):
            c0 = i * 2
            acc = step(c0, 0, acc)
            acc = step(c0 + 1, 1, acc)
            drain_s(c0, 0)
            drain_s(c0 + 1, 1)
            return acc

        acc = lax.fori_loop(0, NCHUNK // 2, pair_body,
                            jnp.zeros((L,), jnp.float32))
        last = NCHUNK - 1
        acc = step(last, 0, acc)
        drain_s(last, 0)
        accv[...] = acc
        pltpu.sync_copy(accv, out_hbm.at[wid])

        plsc.subcore_barrier()
        pltpu.sync_copy(s_sh.at[pl.ds(t0, RPT)],
                        s_out_hbm.at[cid, pl.ds(t0, RPT)])

        @pl.when(sid == 0)
        def _dump_tail():
            pltpu.sync_copy(s_sh.at[pl.ds(NS * RPT, RTAIL)],
                            s_out_hbm.at[cid, pl.ds(NS * RPT, RTAIL)])

    return _edge_kernel


def kernel(y, target, x, edge_index, W_msg, b_msg):
    p, q, gh, base = _prep(y, target, x, W_msg, b_msg.reshape(1, D))
    q_packed = lax.bitcast_convert_type(
        q.astype(jnp.bfloat16).reshape(N, DW, 2), jnp.int32)
    part, s_acc = _make_edge_kernel()(edge_index, q_packed, gh.reshape(N))
    tot = _final(p, s_acc, part, base)
    return tot[0, 0]

# --- scband reference (transcript-rebuilt; emitter-appended) ---
"""Pipeline reference for scband-maeloss-with-klmessage-reg-17343077941663 (READ-ONLY COPY).

The authoritative reference and input builder live on the scoring server;
editing this copy changes nothing except your own understanding.
"""

import jax, jax.numpy as jnp
import numpy as np

N_NODES = 10000
N_EDGES = 320000
D_FEAT = 128
MSG_DIM = 128
REG_WEIGHT = 1.0


def setup_inputs(seed: int = 0) -> dict:
    key = jax.random.key(seed)
    k1, k2, k3, k4, k5 = jax.random.split(key, 5)
    y = jax.random.normal(k1, (N_NODES, D_FEAT), dtype=jnp.float32)
    target = jax.random.normal(k2, (N_NODES, D_FEAT), dtype=jnp.float32)
    x = jax.random.normal(k3, (N_NODES, D_FEAT), dtype=jnp.float32)
    edge_index = jax.random.randint(k4, (2, N_EDGES), 0, N_NODES, dtype=jnp.int32)
    # Materialized parameters of model.message (linear layer on concat(source, receiver)).
    # Scaled small so exp(logvar) stays numerically tame.
    W_msg = jax.random.normal(k5, (2 * D_FEAT, MSG_DIM), dtype=jnp.float32) * 0.01
    b_msg = jnp.zeros((MSG_DIM,), dtype=jnp.float32)
    return {"y": y, "target": target, "x": x, "edge_index": edge_index, "W_msg": W_msg, "b_msg": b_msg}


def reference(y, target, x, edge_index, W_msg, b_msg):
    # base MAE loss (sum of abs diff, averaged over first dim, matching torch code)
    base_loss = jnp.sum(jnp.abs(y - target)) / y.shape[0]
    # gather source/receiver node features per edge
    s = jnp.take(x, edge_index[0], axis=0)
    r = jnp.take(x, edge_index[1], axis=0)
    # model.message(s, r): linear on concatenated features -> msg_dim
    messages = jnp.concatenate([s, r], axis=-1) @ W_msg + b_msg
    half = MSG_DIM // 2
    mu = messages[:, :half]
    logvar = messages[:, half:]
    kl_reg = jnp.sum(0.5 * (mu ** 2 + jnp.exp(logvar) - logvar - 1.0)) / messages.shape[0]
    total_loss = base_loss + REG_WEIGHT * kl_reg
    return total_loss

if __name__ == "__main__":
    import jax
    _d = setup_inputs()
    print(jax.jit(kernel)(*tuple(_d.values())))

</pallas_src>

<mosaic_0001>
#map = affine_map<(d0, d1) -> (0, 0)>
#map1 = affine_map<(d0, d1) -> (0)>
#map2 = affine_map<(d0, d1) -> (0, 0, 0)>
module attributes {stable_mosaic.version = 14 : i64} {
  func.func @_edge_kernel(%arg0: i32, %arg1: i32, %arg2: memref<2x320000xi32, #tpu.memory_space<hbm>>, %arg3: memref<10000x64xi32, #tpu.memory_space<hbm>>, %arg4: memref<10000xi32, #tpu.memory_space<hbm>>, %arg5: memref<32x16xf32, #tpu.memory_space<hbm>>, %arg6: memref<2x10000x128xbf16, #tpu.memory_space<hbm>>, %arg7: memref<10000xi32, #tpu.memory_space<vmem>>, %arg8: memref<10000xi32, #tpu.memory_space<vmem>>, %arg9: memref<80x64xi32, #tpu.memory_space<vmem>>, %arg10: memref<80x64xi32, #tpu.memory_space<vmem>>, %arg11: memref<80x128xbf16, #tpu.memory_space<vmem>>, %arg12: memref<80x128xbf16, #tpu.memory_space<vmem>>, %arg13: memref<10000x128xbf16, #tpu.memory_space<vmem_shared>>, %arg14: memref<10000xi32, #tpu.memory_space<vmem>>, %arg15: memref<16xf32, #tpu.memory_space<vmem>>, %arg16: memref<!tpu.dma_semaphore, #tpu.memory_space<semaphore_mem>>, %arg17: memref<!tpu.dma_semaphore, #tpu.memory_space<semaphore_mem>>, %arg18: memref<!tpu.dma_semaphore, #tpu.memory_space<semaphore_mem>>, %arg19: memref<!tpu.dma_semaphore, #tpu.memory_space<semaphore_mem>>) attributes {dimension_semantics = [#tpu.dimension_semantics<core_parallel>, #tpu.dimension_semantics<subcore_parallel>], iteration_bounds = array<i64: 2, 16>, scalar_prefetch = 0 : i64, scratch_operands = 13 : i64, tpu.core_type = #tpu.core_type<sc_vector_subcore>, window_params = [{transform_indices = #map}, {transform_indices = #map}, {transform_indices = #map1}, {transform_indices = #map}, {transform_indices = #map2}]} {
    %mul3A = arith.constant 2 : i32
    %mul3A_0 = arith.muli %arg1, %mul3A : i32
    %add3A = arith.addi %mul3A_0, %arg0 : i32
    %mul3A_1 = arith.constant 10000 : i32
    %mul3A_2 = arith.muli %add3A, %mul3A_1 : i32
    %run_scoped3A = arith.constant 0 : i32
    "tpu.region"() ({
      %run_scoped3A_80 = tpu.sem_alloc : memref<!tpu.dma_semaphore, #tpu.memory_space<semaphore_mem>>
      %dma_start3A_81 = tpu.memref_slice %arg2[%run_scoped3A, %mul3A_2] : memref<2x320000xi32, #tpu.memory_space<hbm>> -> memref<1x10000xi32, #tpu.memory_space<hbm>>
      %dma_start3A_82 = tpu.memref_squeeze %dma_start3A_81 : memref<1x10000xi32, #tpu.memory_space<hbm>> -> memref<10000xi32, #tpu.memory_space<hbm>>
      %dma_start3A_83 = tpu.memref_slice %arg2[%run_scoped3A, %mul3A_2] : memref<2x320000xi32, #tpu.memory_space<hbm>> -> memref<1x10000xi32, #tpu.memory_space<hbm>>
      %dma_start3A_84 = tpu.memref_squeeze %dma_start3A_83 : memref<1x10000xi32, #tpu.memory_space<hbm>> -> memref<10000xi32, #tpu.memory_space<hbm>>
      tpu.enqueue_dma source(%dma_start3A_84 : memref<10000xi32, #tpu.memory_space<hbm>>) target(%arg7 : memref<10000xi32, #tpu.memory_space<vmem>>) target_semaphore(%run_scoped3A_80 : memref<!tpu.dma_semaphore, #tpu.memory_space<semaphore_mem>>)
      %dma_wait3A_85 = tpu.memref_slice %arg2[%run_scoped3A, %mul3A_2] : memref<2x320000xi32, #tpu.memory_space<hbm>> -> memref<1x10000xi32, #tpu.memory_space<hbm>>
      %dma_wait3A_86 = tpu.memref_squeeze %dma_wait3A_85 : memref<1x10000xi32, #tpu.memory_space<hbm>> -> memref<10000xi32, #tpu.memory_space<hbm>>
      %dma_wait3A_87 = tpu.memref_slice %arg2[%run_scoped3A, %mul3A_2] : memref<2x320000xi32, #tpu.memory_space<hbm>> -> memref<1x10000xi32, #tpu.memory_space<hbm>>
      %dma_wait3A_88 = tpu.memref_squeeze %dma_wait3A_87 : memref<1x10000xi32, #tpu.memory_space<hbm>> -> memref<10000xi32, #tpu.memory_space<hbm>>
      tpu.wait_dma2 semaphore(%run_scoped3A_80 : memref<!tpu.dma_semaphore, #tpu.memory_space<semaphore_mem>>) src(%dma_wait3A_88 : memref<10000xi32, #tpu.memory_space<hbm>>) dst(%arg7 : memref<10000xi32, #tpu.memory_space<vmem>>)
      tpu.yield
    }) : () -> ()
    %run_scoped3A_3 = arith.constant 1 : i32
    "tpu.region"() ({
      %run_scoped3A_80 = tpu.sem_alloc : memref<!tpu.dma_semaphore, #tpu.memory_space<semaphore_mem>>
      %dma_start3A_81 = tpu.memref_slice %arg2[%run_scoped3A_3, %mul3A_2] : memref<2x320000xi32, #tpu.memory_space<hbm>> -> memref<1x10000xi32, #tpu.memory_space<hbm>>
      %dma_start3A_82 = tpu.memref_squeeze %dma_start3A_81 : memref<1x10000xi32, #tpu.memory_space<hbm>> -> memref<10000xi32, #tpu.memory_space<hbm>>
      %dma_start3A_83 = tpu.memref_slice %arg2[%run_scoped3A_3, %mul3A_2] : memref<2x320000xi32, #tpu.memory_space<hbm>> -> memref<1x10000xi32, #tpu.memory_space<hbm>>
      %dma_start3A_84 = tpu.memref_squeeze %dma_start3A_83 : memref<1x10000xi32, #tpu.memory_space<hbm>> -> memref<10000xi32, #tpu.memory_space<hbm>>
      tpu.enqueue_dma source(%dma_start3A_84 : memref<10000xi32, #tpu.memory_space<hbm>>) target(%arg8 : memref<10000xi32, #tpu.memory_space<vmem>>) target_semaphore(%run_scoped3A_80 : memref<!tpu.dma_semaphore, #tpu.memory_space<semaphore_mem>>)
      %dma_wait3A_85 = tpu.memref_slice %arg2[%run_scoped3A_3, %mul3A_2] : memref<2x320000xi32, #tpu.memory_space<hbm>> -> memref<1x10000xi32, #tpu.memory_space<hbm>>
      %dma_wait3A_86 = tpu.memref_squeeze %dma_wait3A_85 : memref<1x10000xi32, #tpu.memory_space<hbm>> -> memref<10000xi32, #tpu.memory_space<hbm>>
      %dma_wait3A_87 = tpu.memref_slice %arg2[%run_scoped3A_3, %mul3A_2] : memref<2x320000xi32, #tpu.memory_space<hbm>> -> memref<1x10000xi32, #tpu.memory_space<hbm>>
      %dma_wait3A_88 = tpu.memref_squeeze %dma_wait3A_87 : memref<1x10000xi32, #tpu.memory_space<hbm>> -> memref<10000xi32, #tpu.memory_space<hbm>>
      tpu.wait_dma2 semaphore(%run_scoped3A_80 : memref<!tpu.dma_semaphore, #tpu.memory_space<semaphore_mem>>) src(%dma_wait3A_88 : memref<10000xi32, #tpu.memory_space<hbm>>) dst(%arg8 : memref<10000xi32, #tpu.memory_space<vmem>>)
      tpu.yield
    }) : () -> ()
    "tpu.region"() ({
      %run_scoped3A_80 = tpu.sem_alloc : memref<!tpu.dma_semaphore, #tpu.memory_space<semaphore_mem>>
      tpu.enqueue_dma source(%arg4 : memref<10000xi32, #tpu.memory_space<hbm>>) target(%arg14 : memref<10000xi32, #tpu.memory_space<vmem>>) target_semaphore(%run_scoped3A_80 : memref<!tpu.dma_semaphore, #tpu.memory_space<semaphore_mem>>)
      tpu.wait_dma2 semaphore(%run_scoped3A_80 : memref<!tpu.dma_semaphore, #tpu.memory_space<semaphore_mem>>) src(%arg4 : memref<10000xi32, #tpu.memory_space<hbm>>) dst(%arg14 : memref<10000xi32, #tpu.memory_space<vmem>>)
      tpu.yield
    }) : () -> ()
    %scan3A = arith.constant 0 : i32
    %scan3A_4 = arith.constant 0 : i32
    %scan3A_5 = arith.constant 80 : i32
    %scan3A_6 = arith.addi %scan3A_4, %scan3A_5 : i32
    %scan3A_7 = arith.constant 1 : i32
    %scan3A_8 = scf.for %scan3A_80 = %scan3A_4 to %scan3A_6 step %scan3A_7 iter_args(%scan3A_81 = %scan3A) -> (i32)  : i32 {
      %broadcast_in_dim3A_82 = arith.constant 0.000000e+00 : bf16
      %broadcast_in_dim3A_83 = vector.broadcast %broadcast_in_dim3A_82 : bf16 to vector<32xbf16>
      %swap3A_84 = arith.index_cast %scan3A_80 : i32 to index
      %swap3A_85 = arith.constant 0 : index
      %swap3A_86 = tpu.vector_load %arg11[%swap3A_84, %swap3A_85] {strides = array<i32>} : memref<80x128xbf16, #tpu.memory_space<vmem>>, vector<32xbf16>,
      tpu.vector_store %arg11[%swap3A_84, %swap3A_85], %broadcast_in_dim3A_83 {strides = array<i32>} : memref<80x128xbf16, #tpu.memory_space<vmem>>, vector<32xbf16>,
      %broadcast_in_dim3A_87 = arith.constant 0.000000e+00 : bf16
      %broadcast_in_dim3A_88 = vector.broadcast %broadcast_in_dim3A_87 : bf16 to vector<32xbf16>
      %swap3A_89 = arith.index_cast %scan3A_80 : i32 to index
      %swap3A_90 = arith.constant 32 : index
      %swap3A_91 = tpu.vector_load %arg11[%swap3A_89, %swap3A_90] {strides = array<i32>} : memref<80x128xbf16, #tpu.memory_space<vmem>>, vector<32xbf16>,
      tpu.vector_store %arg11[%swap3A_89, %swap3A_90], %broadcast_in_dim3A_88 {strides = array<i32>} : memref<80x128xbf16, #tpu.memory_space<vmem>>, vector<32xbf16>,
      %broadcast_in_dim3A_92 = arith.constant 0.000000e+00 : bf16
      %broadcast_in_dim3A_93 = vector.broadcast %broadcast_in_dim3A_92 : bf16 to vector<32xbf16>
      %swap3A_94 = arith.index_cast %scan3A_80 : i32 to index
      %swap3A_95 = arith.constant 64 : index
      %swap3A_96 = tpu.vector_load %arg11[%swap3A_94, %swap3A_95] {strides = array<i32>} : memref<80x128xbf16, #tpu.memory_space<vmem>>, vector<32xbf16>,
      tpu.vector_store %arg11[%swap3A_94, %swap3A_95], %broadcast_in_dim3A_93 {strides = array<i32>} : memref<80x128xbf16, #tpu.memory_space<vmem>>, vector<32xbf16>,
      %broadcast_in_dim3A_97 = arith.constant 0.000000e+00 : bf16
      %broadcast_in_dim3A_98 = vector.broadcast %broadcast_in_dim3A_97 : bf16 to vector<32xbf16>
      %swap3A_99 = arith.index_cast %scan3A_80 : i32 to index
      %swap3A_100 = arith.constant 96 : index
      %swap3A_101 = tpu.vector_load %arg11[%swap3A_99, %swap3A_100] {strides = array<i32>} : memref<80x128xbf16, #tpu.memory_space<vmem>>, vector<32xbf16>,
      tpu.vector_store %arg11[%swap3A_99, %swap3A_100], %broadcast_in_dim3A_98 {strides = array<i32>} : memref<80x128xbf16, #tpu.memory_space<vmem>>, vector<32xbf16>,
      %scan3A_102 = arith.constant 0 : i32
      scf.yield %scan3A_102 : i32
    }
    %scan3A_9 = arith.constant 80 : i32
    %mul3A_10 = arith.constant 624 : i32
    %mul3A_11 = arith.muli %arg1, %mul3A_10 : i32
    %add3A_12 = arith.constant 0 : i32
    %add3A_13 = arith.addi %mul3A_11, %add3A_12 : i32
    "tpu.region"() ({
      %run_scoped3A_80 = tpu.sem_alloc : memref<!tpu.dma_semaphore, #tpu.memory_space<semaphore_mem>>
      %dma_start3A_81 = arith.constant 0 : i32
      %dma_start3A_82 = arith.constant 0 : i32
      %dma_start3A_83 = tpu.memref_slice %arg11[%dma_start3A_81, %dma_start3A_82] : memref<80x128xbf16, #tpu.memory_space<vmem>> -> memref<80x128xbf16, #tpu.memory_space<vmem>>
      %dma_start3A_84 = arith.constant 0 : i32
      %dma_start3A_85 = tpu.memref_slice %arg13[%add3A_13, %dma_start3A_84] : memref<10000x128xbf16, #tpu.memory_space<vmem_shared>> -> memref<80x128xbf16, #tpu.memory_space<vmem_shared>>
      %dma_start3A_86 = arith.constant 0 : i32
      %dma_start3A_87 = tpu.memref_slice %arg13[%add3A_13, %dma_start3A_86] : memref<10000x128xbf16, #tpu.memory_space<vmem_shared>> -> memref<80x128xbf16, #tpu.memory_space<vmem_shared>>
      %dma_start3A_88 = arith.constant 0 : i32
      %dma_start3A_89 = arith.constant 0 : i32
      %dma_start3A_90 = tpu.memref_slice %arg11[%dma_start3A_88, %dma_start3A_89] : memref<80x128xbf16, #tpu.memory_space<vmem>> -> memref<80x128xbf16, #tpu.memory_space<vmem>>
      tpu.enqueue_dma source(%dma_start3A_90 : memref<80x128xbf16, #tpu.memory_space<vmem>>) target(%dma_start3A_87 : memref<80x128xbf16, #tpu.memory_space<vmem_shared>>) target_semaphore(%run_scoped3A_80 : memref<!tpu.dma_semaphore, #tpu.memory_space<semaphore_mem>>)
      %dma_wait3A_91 = arith.constant 0 : i32
      %dma_wait3A_92 = arith.constant 0 : i32
      %dma_wait3A_93 = tpu.memref_slice %arg11[%dma_wait3A_91, %dma_wait3A_92] : memref<80x128xbf16, #tpu.memory_space<vmem>> -> memref<80x128xbf16, #tpu.memory_space<vmem>>
      %dma_wait3A_94 = arith.constant 0 : i32
      %dma_wait3A_95 = tpu.memref_slice %arg13[%add3A_13, %dma_wait3A_94] : memref<10000x128xbf16, #tpu.memory_space<vmem_shared>> -> memref<80x128xbf16, #tpu.memory_space<vmem_shared>>
      %dma_wait3A_96 = arith.constant 0 : i32
      %dma_wait3A_97 = tpu.memref_slice %arg13[%add3A_13, %dma_wait3A_96] : memref<10000x128xbf16, #tpu.memory_space<vmem_shared>> -> memref<80x128xbf16, #tpu.memory_space<vmem_shared>>
      %dma_wait3A_98 = arith.constant 0 : i32
      %dma_wait3A_99 = arith.constant 0 : i32
      %dma_wait3A_100 = tpu.memref_slice %arg11[%dma_wait3A_98, %dma_wait3A_99] : memref<80x128xbf16, #tpu.memory_space<vmem>> -> memref<80x128xbf16, #tpu.memory_space<vmem>>
      tpu.wait_dma2 semaphore(%run_scoped3A_80 : memref<!tpu.dma_semaphore, #tpu.memory_space<semaphore_mem>>) src(%dma_wait3A_100 : memref<80x128xbf16, #tpu.memory_space<vmem>>) dst(%dma_wait3A_97 : memref<80x128xbf16, #tpu.memory_space<vmem_shared>>)
      tpu.yield
    }) : () -> ()
    %add3A_14 = arith.constant 80 : i32
    %add3A_15 = arith.addi %mul3A_11, %add3A_14 : i32
    "tpu.region"() ({
      %run_scoped3A_80 = tpu.sem_alloc : memref<!tpu.dma_semaphore, #tpu.memory_space<semaphore_mem>>
      %dma_start3A_81 = arith.constant 0 : i32
      %dma_start3A_82 = arith.constant 0 : i32
      %dma_start3A_83 = tpu.memref_slice %arg11[%dma_start3A_81, %dma_start3A_82] : memref<80x128xbf16, #tpu.memory_space<vmem>> -> memref<80x128xbf16, #tpu.memory_space<vmem>>
      %dma_start3A_84 = arith.constant 0 : i32
      %dma_start3A_85 = tpu.memref_slice %arg13[%add3A_15, %dma_start3A_84] : memref<10000x128xbf16, #tpu.memory_space<vmem_shared>> -> memref<80x128xbf16, #tpu.memory_space<vmem_shared>>
      %dma_start3A_86 = arith.constant 0 : i32
      %dma_start3A_87 = tpu.memref_slice %arg13[%add3A_15, %dma_start3A_86] : memref<10000x128xbf16, #tpu.memory_space<vmem_shared>> -> memref<80x128xbf16, #tpu.memory_space<vmem_shared>>
      %dma_start3A_88 = arith.constant 0 : i32
      %dma_start3A_89 = arith.constant 0 : i32
      %dma_start3A_90 = tpu.memref_slice %arg11[%dma_start3A_88, %dma_start3A_89] : memref<80x128xbf16, #tpu.memory_space<vmem>> -> memref<80x128xbf16, #tpu.memory_space<vmem>>
      tpu.enqueue_dma source(%dma_start3A_90 : memref<80x128xbf16, #tpu.memory_space<vmem>>) target(%dma_start3A_87 : memref<80x128xbf16, #tpu.memory_space<vmem_shared>>) target_semaphore(%run_scoped3A_80 : memref<!tpu.dma_semaphore, #tpu.memory_space<semaphore_mem>>)
      %dma_wait3A_91 = arith.constant 0 : i32
      %dma_wait3A_92 = arith.constant 0 : i32
      %dma_wait3A_93 = tpu.memref_slice %arg11[%dma_wait3A_91, %dma_wait3A_92] : memref<80x128xbf16, #tpu.memory_space<vmem>> -> memref<80x128xbf16, #tpu.memory_space<vmem>>
      %dma_wait3A_94 = arith.constant 0 : i32
      %dma_wait3A_95 = tpu.memref_slice %arg13[%add3A_15, %dma_wait3A_94] : memref<10000x128xbf16, #tpu.memory_space<vmem_shared>> -> memref<80x128xbf16, #tpu.memory_space<vmem_shared>>
      %dma_wait3A_96 = arith.constant 0 : i32
      %dma_wait3A_97 = tpu.memref_slice %arg13[%add3A_15, %dma_wait3A_96] : memref<10000x128xbf16, #tpu.memory_space<vmem_shared>> -> memref<80x128xbf16, #tpu.memory_space<vmem_shared>>
      %dma_wait3A_98 = arith.constant 0 : i32
      %dma_wait3A_99 = arith.constant 0 : i32
      %dma_wait3A_100 = tpu.memref_slice %arg11[%dma_wait3A_98, %dma_wait3A_99] : memref<80x128xbf16, #tpu.memory_space<vmem>> -> memref<80x128xbf16, #tpu.memory_space<vmem>>
      tpu.wait_dma2 semaphore(%run_scoped3A_80 : memref<!tpu.dma_semaphore, #tpu.memory_space<semaphore_mem>>) src(%dma_wait3A_100 : memref<80x128xbf16, #tpu.memory_space<vmem>>) dst(%dma_wait3A_97 : memref<80x128xbf16, #tpu.memory_space<vmem_shared>>)
      tpu.yield
    }) : () -> ()
    %add3A_16 = arith.constant 160 : i32
    %add3A_17 = arith.addi %mul3A_11, %add3A_16 : i32
    "tpu.region"() ({
      %run_scoped3A_80 = tpu.sem_alloc : memref<!tpu.dma_semaphore, #tpu.memory_space<semaphore_mem>>
      %dma_start3A_81 = arith.constant 0 : i32
      %dma_start3A_82 = arith.constant 0 : i32
      %dma_start3A_83 = tpu.memref_slice %arg11[%dma_start3A_81, %dma_start3A_82] : memref<80x128xbf16, #tpu.memory_space<vmem>> -> memref<80x128xbf16, #tpu.memory_space<vmem>>
      %dma_start3A_84 = arith.constant 0 : i32
      %dma_start3A_85 = tpu.memref_slice %arg13[%add3A_17, %dma_start3A_84] : memref<10000x128xbf16, #tpu.memory_space<vmem_shared>> -> memref<80x128xbf16, #tpu.memory_space<vmem_shared>>
      %dma_start3A_86 = arith.constant 0 : i32
      %dma_start3A_87 = tpu.memref_slice %arg13[%add3A_17, %dma_start3A_86] : memref<10000x128xbf16, #tpu.memory_space<vmem_shared>> -> memref<80x128xbf16, #tpu.memory_space<vmem_shared>>
      %dma_start3A_88 = arith.constant 0 : i32
      %dma_start3A_89 = arith.constant 0 : i32
      %dma_start3A_90 = tpu.memref_slice %arg11[%dma_start3A_88, %dma_start3A_89] : memref<80x128xbf16, #tpu.memory_space<vmem>> -> memref<80x128xbf16, #tpu.memory_space<vmem>>
      tpu.enqueue_dma source(%dma_start3A_90 : memref<80x128xbf16, #tpu.memory_space<vmem>>) target(%dma_start3A_87 : memref<80x128xbf16, #tpu.memory_space<vmem_shared>>) target_semaphore(%run_scoped3A_80 : memref<!tpu.dma_semaphore, #tpu.memory_space<semaphore_mem>>)
      %dma_wait3A_91 = arith.constant 0 : i32
      %dma_wait3A_92 = arith.constant 0 : i32
      %dma_wait3A_93 = tpu.memref_slice %arg11[%dma_wait3A_91, %dma_wait3A_92] : memref<80x128xbf16, #tpu.memory_space<vmem>> -> memref<80x128xbf16, #tpu.memory_space<vmem>>
      %dma_wait3A_94 = arith.constant 0 : i32
      %dma_wait3A_95 = tpu.memref_slice %arg13[%add3A_17, %dma_wait3A_94] : memref<10000x128xbf16, #tpu.memory_space<vmem_shared>> -> memref<80x128xbf16, #tpu.memory_space<vmem_shared>>
      %dma_wait3A_96 = arith.constant 0 : i32
      %dma_wait3A_97 = tpu.memref_slice %arg13[%add3A_17, %dma_wait3A_96] : memref<10000x128xbf16, #tpu.memory_space<vmem_shared>> -> memref<80x128xbf16, #tpu.memory_space<vmem_shared>>
      %dma_wait3A_98 = arith.constant 0 : i32
      %dma_wait3A_99 = arith.constant 0 : i32
      %dma_wait3A_100 = tpu.memref_slice %arg11[%dma_wait3A_98, %dma_wait3A_99] : memref<80x128xbf16, #tpu.memory_space<vmem>> -> memref<80x128xbf16, #tpu.memory_space<vmem>>
      tpu.wait_dma2 semaphore(%run_scoped3A_80 : memref<!tpu.dma_semaphore, #tpu.memory_space<semaphore_mem>>) src(%dma_wait3A_100 : memref<80x128xbf16, #tpu.memory_space<vmem>>) dst(%dma_wait3A_97 : memref<80x128xbf16, #tpu.memory_space<vmem_shared>>)
      tpu.yield
    }) : () -> ()
    %add3A_18 = arith.constant 240 : i32
    %add3A_19 = arith.addi %mul3A_11, %add3A_18 : i32
    "tpu.region"() ({
      %run_scoped3A_80 = tpu.sem_alloc : memref<!tpu.dma_semaphore, #tpu.memory_space<semaphore_mem>>
      %dma_start3A_81 = arith.constant 0 : i32
      %dma_start3A_82 = arith.constant 0 : i32
      %dma_start3A_83 = tpu.memref_slice %arg11[%dma_start3A_81, %dma_start3A_82] : memref<80x128xbf16, #tpu.memory_space<vmem>> -> memref<80x128xbf16, #tpu.memory_space<vmem>>
      %dma_start3A_84 = arith.constant 0 : i32
      %dma_start3A_85 = tpu.memref_slice %arg13[%add3A_19, %dma_start3A_84] : memref<10000x128xbf16, #tpu.memory_space<vmem_shared>> -> memref<80x128xbf16, #tpu.memory_space<vmem_shared>>
      %dma_start3A_86 = arith.constant 0 : i32
      %dma_start3A_87 = tpu.memref_slice %arg13[%add3A_19, %dma_start3A_86] : memref<10000x128xbf16, #tpu.memory_space<vmem_shared>> -> memref<80x128xbf16, #tpu.memory_space<vmem_shared>>
      %dma_start3A_88 = arith.constant 0 : i32
      %dma_start3A_89 = arith.constant 0 : i32
      %dma_start3A_90 = tpu.memref_slice %arg11[%dma_start3A_88, %dma_start3A_89] : memref<80x128xbf16, #tpu.memory_space<vmem>> -> memref<80x128xbf16, #tpu.memory_space<vmem>>
      tpu.enqueue_dma source(%dma_start3A_90 : memref<80x128xbf16, #tpu.memory_space<vmem>>) target(%dma_start3A_87 : memref<80x128xbf16, #tpu.memory_space<vmem_shared>>) target_semaphore(%run_scoped3A_80 : memref<!tpu.dma_semaphore, #tpu.memory_space<semaphore_mem>>)
      %dma_wait3A_91 = arith.constant 0 : i32
      %dma_wait3A_92 = arith.constant 0 : i32
      %dma_wait3A_93 = tpu.memref_slice %arg11[%dma_wait3A_91, %dma_wait3A_92] : memref<80x128xbf16, #tpu.memory_space<vmem>> -> memref<80x128xbf16, #tpu.memory_space<vmem>>
      %dma_wait3A_94 = arith.constant 0 : i32
      %dma_wait3A_95 = tpu.memref_slice %arg13[%add3A_19, %dma_wait3A_94] : memref<10000x128xbf16, #tpu.memory_space<vmem_shared>> -> memref<80x128xbf16, #tpu.memory_space<vmem_shared>>
      %dma_wait3A_96 = arith.constant 0 : i32
      %dma_wait3A_97 = tpu.memref_slice %arg13[%add3A_19, %dma_wait3A_96] : memref<10000x128xbf16, #tpu.memory_space<vmem_shared>> -> memref<80x128xbf16, #tpu.memory_space<vmem_shared>>
      %dma_wait3A_98 = arith.constant 0 : i32
      %dma_wait3A_99 = arith.constant 0 : i32
      %dma_wait3A_100 = tpu.memref_slice %arg11[%dma_wait3A_98, %dma_wait3A_99] : memref<80x128xbf16, #tpu.memory_space<vmem>> -> memref<80x128xbf16, #tpu.memory_space<vmem>>
      tpu.wait_dma2 semaphore(%run_scoped3A_80 : memref<!tpu.dma_semaphore, #tpu.memory_space<semaphore_mem>>) src(%dma_wait3A_100 : memref<80x128xbf16, #tpu.memory_space<vmem>>) dst(%dma_wait3A_97 : memref<80x128xbf16, #tpu.memory_space<vmem_shared>>)
      tpu.yield
    }) : () -> ()
    %add3A_20 = arith.constant 320 : i32
    %add3A_21 = arith.addi %mul3A_11, %add3A_20 : i32
    "tpu.region"() ({
      %run_scoped3A_80 = tpu.sem_alloc : memref<!tpu.dma_semaphore, #tpu.memory_space<semaphore_mem>>
      %dma_start3A_81 = arith.constant 0 : i32
      %dma_start3A_82 = arith.constant 0 : i32
      %dma_start3A_83 = tpu.memref_slice %arg11[%dma_start3A_81, %dma_start3A_82] : memref<80x128xbf16, #tpu.memory_space<vmem>> -> memref<80x128xbf16, #tpu.memory_space<vmem>>
      %dma_start3A_84 = arith.constant 0 : i32
      %dma_start3A_85 = tpu.memref_slice %arg13[%add3A_21, %dma_start3A_84] : memref<10000x128xbf16, #tpu.memory_space<vmem_shared>> -> memref<80x128xbf16, #tpu.memory_space<vmem_shared>>
      %dma_start3A_86 = arith.constant 0 : i32
      %dma_start3A_87 = tpu.memref_slice %arg13[%add3A_21, %dma_start3A_86] : memref<10000x128xbf16, #tpu.memory_space<vmem_shared>> -> memref<80x128xbf16, #tpu.memory_space<vmem_shared>>
      %dma_start3A_88 = arith.constant 0 : i32
      %dma_start3A_89 = arith.constant 0 : i32
      %dma_start3A_90 = tpu.memref_slice %arg11[%dma_start3A_88, %dma_start3A_89] : memref<80x128xbf16, #tpu.memory_space<vmem>> -> memref<80x128xbf16, #tpu.memory_space<vmem>>
      tpu.enqueue_dma source(%dma_start3A_90 : memref<80x128xbf16, #tpu.memory_space<vmem>>) target(%dma_start3A_87 : memref<80x128xbf16, #tpu.memory_space<vmem_shared>>) target_semaphore(%run_scoped3A_80 : memref<!tpu.dma_semaphore, #tpu.memory_space<semaphore_mem>>)
      %dma_wait3A_91 = arith.constant 0 : i32
      %dma_wait3A_92 = arith.constant 0 : i32
      %dma_wait3A_93 = tpu.memref_slice %arg11[%dma_wait3A_91, %dma_wait3A_92] : memref<80x128xbf16, #tpu.memory_space<vmem>> -> memref<80x128xbf16, #tpu.memory_space<vmem>>
      %dma_wait3A_94 = arith.constant 0 : i32
      %dma_wait3A_95 = tpu.memref_slice %arg13[%add3A_21, %dma_wait3A_94] : memref<10000x128xbf16, #tpu.memory_space<vmem_shared>> -> memref<80x128xbf16, #tpu.memory_space<vmem_shared>>
      %dma_wait3A_96 = arith.constant 0 : i32
      %dma_wait3A_97 = tpu.memref_slice %arg13[%add3A_21, %dma_wait3A_96] : memref<10000x128xbf16, #tpu.memory_space<vmem_shared>> -> memref<80x128xbf16, #tpu.memory_space<vmem_shared>>
      %dma_wait3A_98 = arith.constant 0 : i32
      %dma_wait3A_99 = arith.constant 0 : i32
      %dma_wait3A_100 = tpu.memref_slice %arg11[%dma_wait3A_98, %dma_wait3A_99] : memref<80x128xbf16, #tpu.memory_space<vmem>> -> memref<80x128xbf16, #tpu.memory_space<vmem>>
      tpu.wait_dma2 semaphore(%run_scoped3A_80 : memref<!tpu.dma_semaphore, #tpu.memory_space<semaphore_mem>>) src(%dma_wait3A_100 : memref<80x128xbf16, #tpu.memory_space<vmem>>) dst(%dma_wait3A_97 : memref<80x128xbf16, #tpu.memory_space<vmem_shared>>)
      tpu.yield
    }) : () -> ()
    %add3A_22 = arith.constant 400 : i32
    %add3A_23 = arith.addi %mul3A_11, %add3A_22 : i32
    "tpu.region"() ({
      %run_scoped3A_80 = tpu.sem_alloc : memref<!tpu.dma_semaphore, #tpu.memory_space<semaphore_mem>>
      %dma_start3A_81 = arith.constant 0 : i32
      %dma_start3A_82 = arith.constant 0 : i32
      %dma_start3A_83 = tpu.memref_slice %arg11[%dma_start3A_81, %dma_start3A_82] : memref<80x128xbf16, #tpu.memory_space<vmem>> -> memref<80x128xbf16, #tpu.memory_space<vmem>>
      %dma_start3A_84 = arith.constant 0 : i32
      %dma_start3A_85 = tpu.memref_slice %arg13[%add3A_23, %dma_start3A_84] : memref<10000x128xbf16, #tpu.memory_space<vmem_shared>> -> memref<80x128xbf16, #tpu.memory_space<vmem_shared>>
      %dma_start3A_86 = arith.constant 0 : i32
      %dma_start3A_87 = tpu.memref_slice %arg13[%add3A_23, %dma_start3A_86] : memref<10000x128xbf16, #tpu.memory_space<vmem_shared>> -> memref<80x128xbf16, #tpu.memory_space<vmem_shared>>
      %dma_start3A_88 = arith.constant 0 : i32
      %dma_start3A_89 = arith.constant 0 : i32
      %dma_start3A_90 = tpu.memref_slice %arg11[%dma_start3A_88, %dma_start3A_89] : memref<80x128xbf16, #tpu.memory_space<vmem>> -> memref<80x128xbf16, #tpu.memory_space<vmem>>
      tpu.enqueue_dma source(%dma_start3A_90 : memref<80x128xbf16, #tpu.memory_space<vmem>>) target(%dma_start3A_87 : memref<80x128xbf16, #tpu.memory_space<vmem_shared>>) target_semaphore(%run_scoped3A_80 : memref<!tpu.dma_semaphore, #tpu.memory_space<semaphore_mem>>)
      %dma_wait3A_91 = arith.constant 0 : i32
      %dma_wait3A_92 = arith.constant 0 : i32
      %dma_wait3A_93 = tpu.memref_slice %arg11[%dma_wait3A_91, %dma_wait3A_92] : memref<80x128xbf16, #tpu.memory_space<vmem>> -> memref<80x128xbf16, #tpu.memory_space<vmem>>
      %dma_wait3A_94 = arith.constant 0 : i32
      %dma_wait3A_95 = tpu.memref_slice %arg13[%add3A_23, %dma_wait3A_94] : memref<10000x128xbf16, #tpu.memory_space<vmem_shared>> -> memref<80x128xbf16, #tpu.memory_space<vmem_shared>>
      %dma_wait3A_96 = arith.constant 0 : i32
      %dma_wait3A_97 = tpu.memref_slice %arg13[%add3A_23, %dma_wait3A_96] : memref<10000x128xbf16, #tpu.memory_space<vmem_shared>> -> memref<80x128xbf16, #tpu.memory_space<vmem_shared>>
      %dma_wait3A_98 = arith.constant 0 : i32
      %dma_wait3A_99 = arith.constant 0 : i32
      %dma_wait3A_100 = tpu.memref_slice %arg11[%dma_wait3A_98, %dma_wait3A_99] : memref<80x128xbf16, #tpu.memory_space<vmem>> -> memref<80x128xbf16, #tpu.memory_space<vmem>>
      tpu.wait_dma2 semaphore(%run_scoped3A_80 : memref<!tpu.dma_semaphore, #tpu.memory_space<semaphore_mem>>) src(%dma_wait3A_100 : memref<80x128xbf16, #tpu.memory_space<vmem>>) dst(%dma_wait3A_97 : memref<80x128xbf16, #tpu.memory_space<vmem_shared>>)
      tpu.yield
    }) : () -> ()
    %add3A_24 = arith.constant 480 : i32
    %add3A_25 = arith.addi %mul3A_11, %add3A_24 : i32
    "tpu.region"() ({
      %run_scoped3A_80 = tpu.sem_alloc : memref<!tpu.dma_semaphore, #tpu.memory_space<semaphore_mem>>
      %dma_start3A_81 = arith.constant 0 : i32
      %dma_start3A_82 = arith.constant 0 : i32
      %dma_start3A_83 = tpu.memref_slice %arg11[%dma_start3A_81, %dma_start3A_82] : memref<80x128xbf16, #tpu.memory_space<vmem>> -> memref<80x128xbf16, #tpu.memory_space<vmem>>
      %dma_start3A_84 = arith.constant 0 : i32
      %dma_start3A_85 = tpu.memref_slice %arg13[%add3A_25, %dma_start3A_84] : memref<10000x128xbf16, #tpu.memory_space<vmem_shared>> -> memref<80x128xbf16, #tpu.memory_space<vmem_shared>>
      %dma_start3A_86 = arith.constant 0 : i32
      %dma_start3A_87 = tpu.memref_slice %arg13[%add3A_25, %dma_start3A_86] : memref<10000x128xbf16, #tpu.memory_space<vmem_shared>> -> memref<80x128xbf16, #tpu.memory_space<vmem_shared>>
      %dma_start3A_88 = arith.constant 0 : i32
      %dma_start3A_89 = arith.constant 0 : i32
      %dma_start3A_90 = tpu.memref_slice %arg11[%dma_start3A_88, %dma_start3A_89] : memref<80x128xbf16, #tpu.memory_space<vmem>> -> memref<80x128xbf16, #tpu.memory_space<vmem>>
      tpu.enqueue_dma source(%dma_start3A_90 : memref<80x128xbf16, #tpu.memory_space<vmem>>) target(%dma_start3A_87 : memref<80x128xbf16, #tpu.memory_space<vmem_shared>>) target_semaphore(%run_scoped3A_80 : memref<!tpu.dma_semaphore, #tpu.memory_space<semaphore_mem>>)
      %dma_wait3A_91 = arith.constant 0 : i32
      %dma_wait3A_92 = arith.constant 0 : i32
      %dma_wait3A_93 = tpu.memref_slice %arg11[%dma_wait3A_91, %dma_wait3A_92] : memref<80x128xbf16, #tpu.memory_space<vmem>> -> memref<80x128xbf16, #tpu.memory_space<vmem>>
      %dma_wait3A_94 = arith.constant 0 : i32
      %dma_wait3A_95 = tpu.memref_slice %arg13[%add3A_25, %dma_wait3A_94] : memref<10000x128xbf16, #tpu.memory_space<vmem_shared>> -> memref<80x128xbf16, #tpu.memory_space<vmem_shared>>
      %dma_wait3A_96 = arith.constant 0 : i32
      %dma_wait3A_97 = tpu.memref_slice %arg13[%add3A_25, %dma_wait3A_96] : memref<10000x128xbf16, #tpu.memory_space<vmem_shared>> -> memref<80x128xbf16, #tpu.memory_space<vmem_shared>>
      %dma_wait3A_98 = arith.constant 0 : i32
      %dma_wait3A_99 = arith.constant 0 : i32
      %dma_wait3A_100 = tpu.memref_slice %arg11[%dma_wait3A_98, %dma_wait3A_99] : memref<80x128xbf16, #tpu.memory_space<vmem>> -> memref<80x128xbf16, #tpu.memory_space<vmem>>
      tpu.wait_dma2 semaphore(%run_scoped3A_80 : memref<!tpu.dma_semaphore, #tpu.memory_space<semaphore_mem>>) src(%dma_wait3A_100 : memref<80x128xbf16, #tpu.memory_space<vmem>>) dst(%dma_wait3A_97 : memref<80x128xbf16, #tpu.memory_space<vmem_shared>>)
      tpu.yield
    }) : () -> ()
    %add3A_26 = arith.constant 560 : i32
    %add3A_27 = arith.addi %mul3A_11, %add3A_26 : i32
    "tpu.region"() ({
      %run_scoped3A_80 = tpu.sem_alloc : memref<!tpu.dma_semaphore, #tpu.memory_space<semaphore_mem>>
      %dma_start3A_81 = arith.constant 0 : i32
      %dma_start3A_82 = arith.constant 0 : i32
      %dma_start3A_83 = tpu.memref_slice %arg11[%dma_start3A_81, %dma_start3A_82] : memref<80x128xbf16, #tpu.memory_space<vmem>> -> memref<64x128xbf16, #tpu.memory_space<vmem>>
      %dma_start3A_84 = arith.constant 0 : i32
      %dma_start3A_85 = tpu.memref_slice %arg13[%add3A_27, %dma_start3A_84] : memref<10000x128xbf16, #tpu.memory_space<vmem_shared>> -> memref<64x128xbf16, #tpu.memory_space<vmem_shared>>
      %dma_start3A_86 = arith.constant 0 : i32
      %dma_start3A_87 = tpu.memref_slice %arg13[%add3A_27, %dma_start3A_86] : memref<10000x128xbf16, #tpu.memory_space<vmem_shared>> -> memref<64x128xbf16, #tpu.memory_space<vmem_shared>>
      %dma_start3A_88 = arith.constant 0 : i32
      %dma_start3A_89 = arith.constant 0 : i32
      %dma_start3A_90 = tpu.memref_slice %arg11[%dma_start3A_88, %dma_start3A_89] : memref<80x128xbf16, #tpu.memory_space<vmem>> -> memref<64x128xbf16, #tpu.memory_space<vmem>>
      tpu.enqueue_dma source(%dma_start3A_90 : memref<64x128xbf16, #tpu.memory_space<vmem>>) target(%dma_start3A_87 : memref<64x128xbf16, #tpu.memory_space<vmem_shared>>) target_semaphore(%run_scoped3A_80 : memref<!tpu.dma_semaphore, #tpu.memory_space<semaphore_mem>>)
      %dma_wait3A_91 = arith.constant 0 : i32
      %dma_wait3A_92 = arith.constant 0 : i32
      %dma_wait3A_93 = tpu.memref_slice %arg11[%dma_wait3A_91, %dma_wait3A_92] : memref<80x128xbf16, #tpu.memory_space<vmem>> -> memref<64x128xbf16, #tpu.memory_space<vmem>>
      %dma_wait3A_94 = arith.constant 0 : i32
      %dma_wait3A_95 = tpu.memref_slice %arg13[%add3A_27, %dma_wait3A_94] : memref<10000x128xbf16, #tpu.memory_space<vmem_shared>> -> memref<64x128xbf16, #tpu.memory_space<vmem_shared>>
      %dma_wait3A_96 = arith.constant 0 : i32
      %dma_wait3A_97 = tpu.memref_slice %arg13[%add3A_27, %dma_wait3A_96] : memref<10000x128xbf16, #tpu.memory_space<vmem_shared>> -> memref<64x128xbf16, #tpu.memory_space<vmem_shared>>
      %dma_wait3A_98 = arith.constant 0 : i32
      %dma_wait3A_99 = arith.constant 0 : i32
      %dma_wait3A_100 = tpu.memref_slice %arg11[%dma_wait3A_98, %dma_wait3A_99] : memref<80x128xbf16, #tpu.memory_space<vmem>> -> memref<64x128xbf16, #tpu.memory_space<vmem>>
      tpu.wait_dma2 semaphore(%run_scoped3A_80 : memref<!tpu.dma_semaphore, #tpu.memory_space<semaphore_mem>>) src(%dma_wait3A_100 : memref<64x128xbf16, #tpu.memory_space<vmem>>) dst(%dma_wait3A_97 : memref<64x128xbf16, #tpu.memory_space<vmem_shared>>)
      tpu.yield
    }) : () -> ()
    %eq3A = arith.constant 0 : i32
    %eq3A_28 = arith.cmpi eq, %arg1, %eq3A : i32
    %convert_element_type3A = arith.extui %eq3A_28 : i1 to i32
    %cond3A = arith.constant 0 : i32
    %cond3A_29 = arith.cmpi ne, %convert_element_type3A, %cond3A : i32
    scf.if %cond3A_29 {
      "tpu.region"() ({
        %run_scoped3A_80 = tpu.sem_alloc : memref<!tpu.dma_semaphore, #tpu.memory_space<semaphore_mem>>
        %dma_start3A_81 = arith.constant 0 : i32
        %dma_start3A_82 = arith.constant 0 : i32
        %dma_start3A_83 = tpu.memref_slice %arg11[%dma_start3A_81, %dma_start3A_82] : memref<80x128xbf16, #tpu.memory_space<vmem>> -> memref<16x128xbf16, #tpu.memory_space<vmem>>
        %dma_start3A_84 = arith.constant 9984 : i32
        %dma_start3A_85 = arith.constant 0 : i32
        %dma_start3A_86 = tpu.memref_slice %arg13[%dma_start3A_84, %dma_start3A_85] : memref<10000x128xbf16, #tpu.memory_space<vmem_shared>> -> memref<16x128xbf16, #tpu.memory_space<vmem_shared>>
        %dma_start3A_87 = arith.constant 9984 : i32
        %dma_start3A_88 = arith.constant 0 : i32
        %dma_start3A_89 = tpu.memref_slice %arg13[%dma_start3A_87, %dma_start3A_88] : memref<10000x128xbf16, #tpu.memory_space<vmem_shared>> -> memref<16x128xbf16, #tpu.memory_space<vmem_shared>>
        %dma_start3A_90 = arith.constant 0 : i32
        %dma_start3A_91 = arith.constant 0 : i32
        %dma_start3A_92 = tpu.memref_slice %arg11[%dma_start3A_90, %dma_start3A_91] : memref<80x128xbf16, #tpu.memory_space<vmem>> -> memref<16x128xbf16, #tpu.memory_space<vmem>>
        tpu.enqueue_dma source(%dma_start3A_92 : memref<16x128xbf16, #tpu.memory_space<vmem>>) target(%dma_start3A_89 : memref<16x128xbf16, #tpu.memory_space<vmem_shared>>) target_semaphore(%run_scoped3A_80 : memref<!tpu.dma_semaphore, #tpu.memory_space<semaphore_mem>>)
        %dma_wait3A_93 = arith.constant 0 : i32
        %dma_wait3A_94 = arith.constant 0 : i32
        %dma_wait3A_95 = tpu.memref_slice %arg11[%dma_wait3A_93, %dma_wait3A_94] : memref<80x128xbf16, #tpu.memory_space<vmem>> -> memref<16x128xbf16, #tpu.memory_space<vmem>>
        %dma_wait3A_96 = arith.constant 9984 : i32
        %dma_wait3A_97 = arith.constant 0 : i32
        %dma_wait3A_98 = tpu.memref_slice %arg13[%dma_wait3A_96, %dma_wait3A_97] : memref<10000x128xbf16, #tpu.memory_space<vmem_shared>> -> memref<16x128xbf16, #tpu.memory_space<vmem_shared>>
        %dma_wait3A_99 = arith.constant 9984 : i32
        %dma_wait3A_100 = arith.constant 0 : i32
        %dma_wait3A_101 = tpu.memref_slice %arg13[%dma_wait3A_99, %dma_wait3A_100] : memref<10000x128xbf16, #tpu.memory_space<vmem_shared>> -> memref<16x128xbf16, #tpu.memory_space<vmem_shared>>
        %dma_wait3A_102 = arith.constant 0 : i32
        %dma_wait3A_103 = arith.constant 0 : i32
        %dma_wait3A_104 = tpu.memref_slice %arg11[%dma_wait3A_102, %dma_wait3A_103] : memref<80x128xbf16, #tpu.memory_space<vmem>> -> memref<16x128xbf16, #tpu.memory_space<vmem>>
        tpu.wait_dma2 semaphore(%run_scoped3A_80 : memref<!tpu.dma_semaphore, #tpu.memory_space<semaphore_mem>>) src(%dma_wait3A_104 : memref<16x128xbf16, #tpu.memory_space<vmem>>) dst(%dma_wait3A_101 : memref<16x128xbf16, #tpu.memory_space<vmem_shared>>)
        tpu.yield
      }) : () -> ()
    } else {
    }
    %barrier3A = arith.constant 0 : index
    tpu.barrier barrier_id(%barrier3A)
    %dma_start3A = arith.constant 0 : i32
    %dma_start3A_30 = tpu.memref_slice %arg8[%dma_start3A] : memref<10000xi32, #tpu.memory_space<vmem>> -> memref<80xi32, #tpu.memory_space<vmem>>
    %dma_start3A_31 = arith.constant 0 : i32
    %dma_start3A_32 = arith.constant 0 : i32
    %dma_start3A_33 = tpu.memref_slice %arg3[%dma_start3A_31, %dma_start3A_32] : memref<10000x64xi32, #tpu.memory_space<hbm>> -> memref<10000x64xi32, #tpu.memory_space<hbm>>
    tpu.enqueue_indirect_dma source(%dma_start3A_33 : memref<10000x64xi32, #tpu.memory_space<hbm>>) target(%arg9 : memref<80x64xi32, #tpu.memory_space<vmem>>) offsets(%dma_start3A_30 : memref<80xi32, #tpu.memory_space<vmem>>) semaphore(%arg16 : memref<!tpu.dma_semaphore, #tpu.memory_space<semaphore_mem>>)
    %dma_start3A_34 = arith.constant 80 : i32
    %dma_start3A_35 = tpu.memref_slice %arg8[%dma_start3A_34] : memref<10000xi32, #tpu.memory_space<vmem>> -> memref<80xi32, #tpu.memory_space<vmem>>
    %dma_start3A_36 = arith.constant 0 : i32
    %dma_start3A_37 = arith.constant 0 : i32
    %dma_start3A_38 = tpu.memref_slice %arg3[%dma_start3A_36, %dma_start3A_37] : memref<10000x64xi32, #tpu.memory_space<hbm>> -> memref<10000x64xi32, #tpu.memory_space<hbm>>
    tpu.enqueue_indirect_dma source(%dma_start3A_38 : memref<10000x64xi32, #tpu.memory_space<hbm>>) target(%arg10 : memref<80x64xi32, #tpu.memory_space<vmem>>) offsets(%dma_start3A_35 : memref<80xi32, #tpu.memory_space<vmem>>) semaphore(%arg17 : memref<!tpu.dma_semaphore, #tpu.memory_space<semaphore_mem>>)
    %broadcast_in_dim3A = arith.constant 0.000000e+00 : f32
    %broadcast_in_dim3A_39 = vector.broadcast %broadcast_in_dim3A : f32 to vector<16xf32>
    %scan3A_40 = arith.constant 0 : i32
    %scan3A_41 = arith.constant 62 : i32
    %scan3A_42 = arith.addi %scan3A_40, %scan3A_41 : i32
    %scan3A_43 = arith.constant 1 : i32
    %scan3A_44 = scf.for %scan3A_80 = %scan3A_40 to %scan3A_42 step %scan3A_43 iter_args(%scan3A_81 = %broadcast_in_dim3A_39) -> (vector<16xf32>)  : i32 {
      %mul3A_82 = arith.constant 2 : i32
      %mul3A_83 = arith.muli %scan3A_80, %mul3A_82 : i32
      %mul3A_84 = arith.constant 80 : i32
      %mul3A_85 = arith.muli %mul3A_83, %mul3A_84 : i32
      %dma_wait3A_86 = tpu.memref_slice %arg8[%mul3A_85] : memref<10000xi32, #tpu.memory_space<vmem>> -> memref<80xi32, #tpu.memory_space<vmem>>
      %dma_wait3A_87 = arith.constant 0 : i32
      %dma_wait3A_88 = arith.constant 0 : i32
      %dma_wait3A_89 = tpu.memref_slice %arg3[%dma_wait3A_87, %dma_wait3A_88] : memref<10000x64xi32, #tpu.memory_space<hbm>> -> memref<10000x64xi32, #tpu.memory_space<hbm>>
      tpu.wait_indirect_dma semaphore(%arg16 : memref<!tpu.dma_semaphore, #tpu.memory_space<semaphore_mem>>) src(%dma_wait3A_89 : memref<10000x64xi32, #tpu.memory_space<hbm>>) dst(%arg9 : memref<80x64xi32, #tpu.memory_space<vmem>>)
      %scan3A_90 = arith.constant 0 : i32
      %scan3A_91 = arith.constant 0 : i32
      %scan3A_92 = arith.constant 80 : i32
      %scan3A_93 = arith.addi %scan3A_91, %scan3A_92 : i32
      %scan3A_94 = arith.constant 1 : i32
      %scan3A_95 = scf.for %scan3A_163 = %scan3A_91 to %scan3A_93 step %scan3A_94 iter_args(%scan3A_164 = %scan3A_90) -> (i32)  : i32 {
        %get3A = arith.index_cast %scan3A_163 : i32 to index
        %get3A_165 = arith.constant 0 : index
        %get3A_166 = tpu.vector_load %arg9[%get3A, %get3A_165] {strides = array<i32>} : memref<80x64xi32, #tpu.memory_space<vmem>>, vector<16xi32>,
        %bitcast3A = vector.bitcast %get3A_166 : vector<16xi32> to vector<32xbf16>
        %swap3A_167 = arith.index_cast %scan3A_163 : i32 to index
        %swap3A_168 = arith.constant 0 : index
        %swap3A_169 = tpu.vector_load %arg11[%swap3A_167, %swap3A_168] {strides = array<i32>} : memref<80x128xbf16, #tpu.memory_space<vmem>>, vector<32xbf16>,
        tpu.vector_store %arg11[%swap3A_167, %swap3A_168], %bitcast3A {strides = array<i32>} : memref<80x128xbf16, #tpu.memory_space<vmem>>, vector<32xbf16>,
        %get3A_170 = arith.index_cast %scan3A_163 : i32 to index
        %get3A_171 = arith.constant 16 : index
        %get3A_172 = tpu.vector_load %arg9[%get3A_170, %get3A_171] {strides = array<i32>} : memref<80x64xi32, #tpu.memory_space<vmem>>, vector<16xi32>,
        %bitcast3A_173 = vector.bitcast %get3A_172 : vector<16xi32> to vector<32xbf16>
        %swap3A_174 = arith.index_cast %scan3A_163 : i32 to index
        %swap3A_175 = arith.constant 32 : index
        %swap3A_176 = tpu.vector_load %arg11[%swap3A_174, %swap3A_175] {strides = array<i32>} : memref<80x128xbf16, #tpu.memory_space<vmem>>, vector<32xbf16>,
        tpu.vector_store %arg11[%swap3A_174, %swap3A_175], %bitcast3A_173 {strides = array<i32>} : memref<80x128xbf16, #tpu.memory_space<vmem>>, vector<32xbf16>,
        %get3A_177 = arith.index_cast %scan3A_163 : i32 to index
        %get3A_178 = arith.constant 32 : index
        %get3A_179 = tpu.vector_load %arg9[%get3A_177, %get3A_178] {strides = array<i32>} : memref<80x64xi32, #tpu.memory_space<vmem>>, vector<16xi32>,
        %bitcast3A_180 = vector.bitcast %get3A_179 : vector<16xi32> to vector<32xbf16>
        %swap3A_181 = arith.index_cast %scan3A_163 : i32 to index
        %swap3A_182 = arith.constant 64 : index
        %swap3A_183 = tpu.vector_load %arg11[%swap3A_181, %swap3A_182] {strides = array<i32>} : memref<80x128xbf16, #tpu.memory_space<vmem>>, vector<32xbf16>,
        tpu.vector_store %arg11[%swap3A_181, %swap3A_182], %bitcast3A_180 {strides = array<i32>} : memref<80x128xbf16, #tpu.memory_space<vmem>>, vector<32xbf16>,
        %get3A_184 = arith.index_cast %scan3A_163 : i32 to index
        %get3A_185 = arith.constant 48 : index
        %get3A_186 = tpu.vector_load %arg9[%get3A_184, %get3A_185] {strides = array<i32>} : memref<80x64xi32, #tpu.memory_space<vmem>>, vector<16xi32>,
        %bitcast3A_187 = vector.bitcast %get3A_186 : vector<16xi32> to vector<32xbf16>
        %swap3A_188 = arith.index_cast %scan3A_163 : i32 to index
        %swap3A_189 = arith.constant 96 : index
        %swap3A_190 = tpu.vector_load %arg11[%swap3A_188, %swap3A_189] {strides = array<i32>} : memref<80x128xbf16, #tpu.memory_space<vmem>>, vector<32xbf16>,
        tpu.vector_store %arg11[%swap3A_188, %swap3A_189], %bitcast3A_187 {strides = array<i32>} : memref<80x128xbf16, #tpu.memory_space<vmem>>, vector<32xbf16>,
        %scan3A_191 = arith.constant 0 : i32
        scf.yield %scan3A_191 : i32
      }
      %scan3A_96 = arith.constant 80 : i32
      %mul3A_97 = arith.constant 80 : i32
      %mul3A_98 = arith.muli %mul3A_83, %mul3A_97 : i32
      %dma_start3A_99 = tpu.memref_slice %arg7[%mul3A_98] : memref<10000xi32, #tpu.memory_space<vmem>> -> memref<80xi32, #tpu.memory_space<vmem>>
      %dma_start3A_100 = arith.constant 0 : i32
      %dma_start3A_101 = arith.constant 0 : i32
      %dma_start3A_102 = tpu.memref_slice %arg13[%dma_start3A_100, %dma_start3A_101] : memref<10000x128xbf16, #tpu.memory_space<vmem_shared>> -> memref<10000x128xbf16, #tpu.memory_space<vmem_shared>>
      tpu.enqueue_indirect_dma source(%arg11 : memref<80x128xbf16, #tpu.memory_space<vmem>>) target(%dma_start3A_102 : memref<10000x128xbf16, #tpu.memory_space<vmem_shared>>) offsets(%dma_start3A_99 : memref<80xi32, #tpu.memory_space<vmem>>) semaphore(%arg18 : memref<!tpu.dma_semaphore, #tpu.memory_space<semaphore_mem>>) {add = true}
      %scan3A_103 = arith.constant 0 : i32
      %scan3A_104 = arith.constant 5 : i32
      %scan3A_105 = arith.addi %scan3A_103, %scan3A_104 : i32
      %scan3A_106 = arith.constant 1 : i32
      %scan3A_107 = scf.for %scan3A_163 = %scan3A_103 to %scan3A_105 step %scan3A_106 iter_args(%scan3A_164 = %scan3A_81) -> (vector<16xf32>)  : i32 {
        %mul3A_165 = arith.constant 80 : i32
        %mul3A_166 = arith.muli %mul3A_83, %mul3A_165 : i32
        %mul3A_167 = arith.constant 16 : i32
        %mul3A_168 = arith.muli %scan3A_163, %mul3A_167 : i32
        %add3A_169 = arith.addi %mul3A_166, %mul3A_168 : i32
        %get3A = arith.index_cast %add3A_169 : i32 to index
        %get3A_170 = tpu.vector_load %arg7[%get3A] {strides = array<i32>} : memref<10000xi32, #tpu.memory_space<vmem>>, vector<16xi32>,
        %mul3A_171 = arith.constant 80 : i32
        %mul3A_172 = arith.muli %mul3A_83, %mul3A_171 : i32
        %mul3A_173 = arith.constant 16 : i32
        %mul3A_174 = arith.muli %scan3A_163, %mul3A_173 : i32
        %add3A_175 = arith.addi %mul3A_172, %mul3A_174 : i32
        %get3A_176 = arith.index_cast %add3A_175 : i32 to index
        %get3A_177 = tpu.vector_load %arg8[%get3A_176] {strides = array<i32>} : memref<10000xi32, #tpu.memory_space<vmem>>, vector<16xi32>,
        %gather3A = tpu.vector_load_idx %arg14[%get3A_170] : memref<10000xi32, #tpu.memory_space<vmem>>[vector<16xi32>], vector<16xi32>,
        %gather3A_178 = tpu.vector_load_idx %arg14[%get3A_177] : memref<10000xi32, #tpu.memory_space<vmem>>[vector<16xi32>], vector<16xi32>,
        %shift_left3A = arith.constant 16 : i32
        %shift_left3A_179 = vector.broadcast %shift_left3A : i32 to vector<16xi32>
        %shift_left3A_180 = arith.shli %gather3A, %shift_left3A_179 : vector<16xi32>
        %bitcast3A = vector.bitcast %shift_left3A_180 : vector<16xi32> to vector<16xf32>
        %and3A = arith.constant -65536 : i32
        %and3A_181 = vector.broadcast %and3A : i32 to vector<16xi32>
        %and3A_182 = arith.andi %gather3A_178, %and3A_181 : vector<16xi32>
        %bitcast3A_183 = vector.bitcast %and3A_182 : vector<16xi32> to vector<16xf32>
        %add3A_184 = arith.addf %scan3A_164, %bitcast3A : vector<16xf32>
        %add3A_185 = arith.addf %add3A_184, %bitcast3A_183 : vector<16xf32>
        scf.yield %add3A_185 : vector<16xf32>
      }
      %scan3A_108 = arith.constant 5 : i32
      %add3A_109 = arith.constant 2 : i32
      %add3A_110 = arith.addi %mul3A_83, %add3A_109 : i32
      %lt3A = arith.constant 125 : i32
      %lt3A_111 = arith.cmpi slt, %add3A_110, %lt3A : i32
      %convert_element_type3A_112 = arith.extui %lt3A_111 : i1 to i32
      %cond3A_113 = arith.constant 0 : i32
      %cond3A_114 = arith.cmpi ne, %convert_element_type3A_112, %cond3A_113 : i32
      scf.if %cond3A_114 {
        %add3A_163 = arith.constant 2 : i32
        %add3A_164 = arith.addi %mul3A_83, %add3A_163 : i32
        %mul3A_165 = arith.constant 80 : i32
        %mul3A_166 = arith.muli %add3A_164, %mul3A_165 : i32
        %dma_start3A_167 = tpu.memref_slice %arg8[%mul3A_166] : memref<10000xi32, #tpu.memory_space<vmem>> -> memref<80xi32, #tpu.memory_space<vmem>>
        %dma_start3A_168 = arith.constant 0 : i32
        %dma_start3A_169 = arith.constant 0 : i32
        %dma_start3A_170 = tpu.memref_slice %arg3[%dma_start3A_168, %dma_start3A_169] : memref<10000x64xi32, #tpu.memory_space<hbm>> -> memref<10000x64xi32, #tpu.memory_space<hbm>>
        tpu.enqueue_indirect_dma source(%dma_start3A_170 : memref<10000x64xi32, #tpu.memory_space<hbm>>) target(%arg9 : memref<80x64xi32, #tpu.memory_space<vmem>>) offsets(%dma_start3A_167 : memref<80xi32, #tpu.memory_space<vmem>>) semaphore(%arg16 : memref<!tpu.dma_semaphore, #tpu.memory_space<semaphore_mem>>)
      } else {
      }
      %add3A_115 = arith.constant 1 : i32
      %add3A_116 = arith.addi %mul3A_83, %add3A_115 : i32
      %mul3A_117 = arith.constant 80 : i32
      %mul3A_118 = arith.muli %add3A_116, %mul3A_117 : i32
      %dma_wait3A_119 = tpu.memref_slice %arg8[%mul3A_118] : memref<10000xi32, #tpu.memory_space<vmem>> -> memref<80xi32, #tpu.memory_space<vmem>>
      %dma_wait3A_120 = arith.constant 0 : i32
      %dma_wait3A_121 = arith.constant 0 : i32
      %dma_wait3A_122 = tpu.memref_slice %arg3[%dma_wait3A_120, %dma_wait3A_121] : memref<10000x64xi32, #tpu.memory_space<hbm>> -> memref<10000x64xi32, #tpu.memory_space<hbm>>
      tpu.wait_indirect_dma semaphore(%arg17 : memref<!tpu.dma_semaphore, #tpu.memory_space<semaphore_mem>>) src(%dma_wait3A_122 : memref<10000x64xi32, #tpu.memory_space<hbm>>) dst(%arg10 : memref<80x64xi32, #tpu.memory_space<vmem>>)
      %scan3A_123 = arith.constant 0 : i32
      %scan3A_124 = arith.constant 0 : i32
      %scan3A_125 = arith.constant 80 : i32
      %scan3A_126 = arith.addi %scan3A_124, %scan3A_125 : i32
      %scan3A_127 = arith.constant 1 : i32
      %scan3A_128 = scf.for %scan3A_163 = %scan3A_124 to %scan3A_126 step %scan3A_127 iter_args(%scan3A_164 = %scan3A_123) -> (i32)  : i32 {
        %get3A = arith.index_cast %scan3A_163 : i32 to index
        %get3A_165 = arith.constant 0 : index
        %get3A_166 = tpu.vector_load %arg10[%get3A, %get3A_165] {strides = array<i32>} : memref<80x64xi32, #tpu.memory_space<vmem>>, vector<16xi32>,
        %bitcast3A = vector.bitcast %get3A_166 : vector<16xi32> to vector<32xbf16>
        %swap3A_167 = arith.index_cast %scan3A_163 : i32 to index
        %swap3A_168 = arith.constant 0 : index
        %swap3A_169 = tpu.vector_load %arg12[%swap3A_167, %swap3A_168] {strides = array<i32>} : memref<80x128xbf16, #tpu.memory_space<vmem>>, vector<32xbf16>,
        tpu.vector_store %arg12[%swap3A_167, %swap3A_168], %bitcast3A {strides = array<i32>} : memref<80x128xbf16, #tpu.memory_space<vmem>>, vector<32xbf16>,
        %get3A_170 = arith.index_cast %scan3A_163 : i32 to index
        %get3A_171 = arith.constant 16 : index
        %get3A_172 = tpu.vector_load %arg10[%get3A_170, %get3A_171] {strides = array<i32>} : memref<80x64xi32, #tpu.memory_space<vmem>>, vector<16xi32>,
        %bitcast3A_173 = vector.bitcast %get3A_172 : vector<16xi32> to vector<32xbf16>
        %swap3A_174 = arith.index_cast %scan3A_163 : i32 to index
        %swap3A_175 = arith.constant 32 : index
        %swap3A_176 = tpu.vector_load %arg12[%swap3A_174, %swap3A_175] {strides = array<i32>} : memref<80x128xbf16, #tpu.memory_space<vmem>>, vector<32xbf16>,
        tpu.vector_store %arg12[%swap3A_174, %swap3A_175], %bitcast3A_173 {strides = array<i32>} : memref<80x128xbf16, #tpu.memory_space<vmem>>, vector<32xbf16>,
        %get3A_177 = arith.index_cast %scan3A_163 : i32 to index
        %get3A_178 = arith.constant 32 : index
        %get3A_179 = tpu.vector_load %arg10[%get3A_177, %get3A_178] {strides = array<i32>} : memref<80x64xi32, #tpu.memory_space<vmem>>, vector<16xi32>,
        %bitcast3A_180 = vector.bitcast %get3A_179 : vector<16xi32> to vector<32xbf16>
        %swap3A_181 = arith.index_cast %scan3A_163 : i32 to index
        %swap3A_182 = arith.constant 64 : index
        %swap3A_183 = tpu.vector_load %arg12[%swap3A_181, %swap3A_182] {strides = array<i32>} : memref<80x128xbf16, #tpu.memory_space<vmem>>, vector<32xbf16>,
        tpu.vector_store %arg12[%swap3A_181, %swap3A_182], %bitcast3A_180 {strides = array<i32>} : memref<80x128xbf16, #tpu.memory_space<vmem>>, vector<32xbf16>,
        %get3A_184 = arith.index_cast %scan3A_163 : i32 to index
        %get3A_185 = arith.constant 48 : index
        %get3A_186 = tpu.vector_load %arg10[%get3A_184, %get3A_185] {strides = array<i32>} : memref<80x64xi32, #tpu.memory_space<vmem>>, vector<16xi32>,
        %bitcast3A_187 = vector.bitcast %get3A_186 : vector<16xi32> to vector<32xbf16>
        %swap3A_188 = arith.index_cast %scan3A_163 : i32 to index
        %swap3A_189 = arith.constant 96 : index
        %swap3A_190 = tpu.vector_load %arg12[%swap3A_188, %swap3A_189] {strides = array<i32>} : memref<80x128xbf16, #tpu.memory_space<vmem>>, vector<32xbf16>,
        tpu.vector_store %arg12[%swap3A_188, %swap3A_189], %bitcast3A_187 {strides = array<i32>} : memref<80x128xbf16, #tpu.memory_space<vmem>>, vector<32xbf16>,
        %scan3A_191 = arith.constant 0 : i32
        scf.yield %scan3A_191 : i32
      }
      %scan3A_129 = arith.constant 80 : i32
      %mul3A_130 = arith.constant 80 : i32
      %mul3A_131 = arith.muli %add3A_116, %mul3A_130 : i32
      %dma_start3A_132 = tpu.memref_slice %arg7[%mul3A_131] : memref<10000xi32, #tpu.memory_space<vmem>> -> memref<80xi32, #tpu.memory_space<vmem>>
      %dma_start3A_133 = arith.constant 0 : i32
      %dma_start3A_134 = arith.constant 0 : i32
      %dma_start3A_135 = tpu.memref_slice %arg13[%dma_start3A_133, %dma_start3A_134] : memref<10000x128xbf16, #tpu.memory_space<vmem_shared>> -> memref<10000x128xbf16, #tpu.memory_space<vmem_shared>>
      tpu.enqueue_indirect_dma source(%arg12 : memref<80x128xbf16, #tpu.memory_space<vmem>>) target(%dma_start3A_135 : memref<10000x128xbf16, #tpu.memory_space<vmem_shared>>) offsets(%dma_start3A_132 : memref<80xi32, #tpu.memory_space<vmem>>) semaphore(%arg19 : memref<!tpu.dma_semaphore, #tpu.memory_space<semaphore_mem>>) {add = true}
      %scan3A_136 = arith.constant 0 : i32
      %scan3A_137 = arith.constant 5 : i32
      %scan3A_138 = arith.addi %scan3A_136, %scan3A_137 : i32
      %scan3A_139 = arith.constant 1 : i32
      %scan3A_140 = scf.for %scan3A_163 = %scan3A_136 to %scan3A_138 step %scan3A_139 iter_args(%scan3A_164 = %scan3A_107) -> (vector<16xf32>)  : i32 {
        %mul3A_165 = arith.constant 80 : i32
        %mul3A_166 = arith.muli %add3A_116, %mul3A_165 : i32
        %mul3A_167 = arith.constant 16 : i32
        %mul3A_168 = arith.muli %scan3A_163, %mul3A_167 : i32
        %add3A_169 = arith.addi %mul3A_166, %mul3A_168 : i32
        %get3A = arith.index_cast %add3A_169 : i32 to index
        %get3A_170 = tpu.vector_load %arg7[%get3A] {strides = array<i32>} : memref<10000xi32, #tpu.memory_space<vmem>>, vector<16xi32>,
        %mul3A_171 = arith.constant 80 : i32
        %mul3A_172 = arith.muli %add3A_116, %mul3A_171 : i32
        %mul3A_173 = arith.constant 16 : i32
        %mul3A_174 = arith.muli %scan3A_163, %mul3A_173 : i32
        %add3A_175 = arith.addi %mul3A_172, %mul3A_174 : i32
        %get3A_176 = arith.index_cast %add3A_175 : i32 to index
        %get3A_177 = tpu.vector_load %arg8[%get3A_176] {strides = array<i32>} : memref<10000xi32, #tpu.memory_space<vmem>>, vector<16xi32>,
        %gather3A = tpu.vector_load_idx %arg14[%get3A_170] : memref<10000xi32, #tpu.memory_space<vmem>>[vector<16xi32>], vector<16xi32>,
        %gather3A_178 = tpu.vector_load_idx %arg14[%get3A_177] : memref<10000xi32, #tpu.memory_space<vmem>>[vector<16xi32>], vector<16xi32>,
        %shift_left3A = arith.constant 16 : i32
        %shift_left3A_179 = vector.broadcast %shift_left3A : i32 to vector<16xi32>
        %shift_left3A_180 = arith.shli %gather3A, %shift_left3A_179 : vector<16xi32>
        %bitcast3A = vector.bitcast %shift_left3A_180 : vector<16xi32> to vector<16xf32>
        %and3A = arith.constant -65536 : i32
        %and3A_181 = vector.broadcast %and3A : i32 to vector<16xi32>
        %and3A_182 = arith.andi %gather3A_178, %and3A_181 : vector<16xi32>
        %bitcast3A_183 = vector.bitcast %and3A_182 : vector<16xi32> to vector<16xf32>
        %add3A_184 = arith.addf %scan3A_164, %bitcast3A : vector<16xf32>
        %add3A_185 = arith.addf %add3A_184, %bitcast3A_183 : vector<16xf32>
        scf.yield %add3A_185 : vector<16xf32>
      }
      %scan3A_141 = arith.constant 5 : i32
      %add3A_142 = arith.constant 2 : i32
      %add3A_143 = arith.addi %add3A_116, %add3A_142 : i32
      %lt3A_144 = arith.constant 125 : i32
      %lt3A_145 = arith.cmpi slt, %add3A_143, %lt3A_144 : i32
      %convert_element_type3A_146 = arith.extui %lt3A_145 : i1 to i32
      %cond3A_147 = arith.constant 0 : i32
      %cond3A_148 = arith.cmpi ne, %convert_element_type3A_146, %cond3A_147 : i32
      scf.if %cond3A_148 {
        %add3A_163 = arith.constant 2 : i32
        %add3A_164 = arith.addi %add3A_116, %add3A_163 : i32
        %mul3A_165 = arith.constant 80 : i32
        %mul3A_166 = arith.muli %add3A_164, %mul3A_165 : i32
        %dma_start3A_167 = tpu.memref_slice %arg8[%mul3A_166] : memref<10000xi32, #tpu.memory_space<vmem>> -> memref<80xi32, #tpu.memory_space<vmem>>
        %dma_start3A_168 = arith.constant 0 : i32
        %dma_start3A_169 = arith.constant 0 : i32
        %dma_start3A_170 = tpu.memref_slice %arg3[%dma_start3A_168, %dma_start3A_169] : memref<10000x64xi32, #tpu.memory_space<hbm>> -> memref<10000x64xi32, #tpu.memory_space<hbm>>
        tpu.enqueue_indirect_dma source(%dma_start3A_170 : memref<10000x64xi32, #tpu.memory_space<hbm>>) target(%arg10 : memref<80x64xi32, #tpu.memory_space<vmem>>) offsets(%dma_start3A_167 : memref<80xi32, #tpu.memory_space<vmem>>) semaphore(%arg17 : memref<!tpu.dma_semaphore, #tpu.memory_space<semaphore_mem>>)
      } else {
      }
      %mul3A_149 = arith.constant 80 : i32
      %mul3A_150 = arith.muli %mul3A_83, %mul3A_149 : i32
      %dma_wait3A_151 = tpu.memref_slice %arg7[%mul3A_150] : memref<10000xi32, #tpu.memory_space<vmem>> -> memref<80xi32, #tpu.memory_space<vmem>>
      %dma_wait3A_152 = arith.constant 0 : i32
      %dma_wait3A_153 = arith.constant 0 : i32
      %dma_wait3A_154 = tpu.memref_slice %arg13[%dma_wait3A_152, %dma_wait3A_153] : memref<10000x128xbf16, #tpu.memory_space<vmem_shared>> -> memref<10000x128xbf16, #tpu.memory_space<vmem_shared>>
      tpu.wait_indirect_dma semaphore(%arg18 : memref<!tpu.dma_semaphore, #tpu.memory_space<semaphore_mem>>) src(%arg11 : memref<80x128xbf16, #tpu.memory_space<vmem>>) dst(%dma_wait3A_154 : memref<10000x128xbf16, #tpu.memory_space<vmem_shared>>)
      %add3A_155 = arith.constant 1 : i32
      %add3A_156 = arith.addi %mul3A_83, %add3A_155 : i32
      %mul3A_157 = arith.constant 80 : i32
      %mul3A_158 = arith.muli %add3A_156, %mul3A_157 : i32
      %dma_wait3A_159 = tpu.memref_slice %arg7[%mul3A_158] : memref<10000xi32, #tpu.memory_space<vmem>> -> memref<80xi32, #tpu.memory_space<vmem>>
      %dma_wait3A_160 = arith.constant 0 : i32
      %dma_wait3A_161 = arith.constant 0 : i32
      %dma_wait3A_162 = tpu.memref_slice %arg13[%dma_wait3A_160, %dma_wait3A_161] : memref<10000x128xbf16, #tpu.memory_space<vmem_shared>> -> memref<10000x128xbf16, #tpu.memory_space<vmem_shared>>
      tpu.wait_indirect_dma semaphore(%arg19 : memref<!tpu.dma_semaphore, #tpu.memory_space<semaphore_mem>>) src(%arg12 : memref<80x128xbf16, #tpu.memory_space<vmem>>) dst(%dma_wait3A_162 : memref<10000x128xbf16, #tpu.memory_space<vmem_shared>>)
      scf.yield %scan3A_140 : vector<16xf32>
    }
    %scan3A_45 = arith.constant 62 : i32
    %dma_wait3A = arith.constant 9920 : i32
    %dma_wait3A_46 = tpu.memref_slice %arg8[%dma_wait3A] : memref<10000xi32, #tpu.memory_space<vmem>> -> memref<80xi32, #tpu.memory_space<vmem>>
    %dma_wait3A_47 = arith.constant 0 : i32
    %dma_wait3A_48 = arith.constant 0 : i32
    %dma_wait3A_49 = tpu.memref_slice %arg3[%dma_wait3A_47, %dma_wait3A_48] : memref<10000x64xi32, #tpu.memory_space<hbm>> -> memref<10000x64xi32, #tpu.memory_space<hbm>>
    tpu.wait_indirect_dma semaphore(%arg16 : memref<!tpu.dma_semaphore, #tpu.memory_space<semaphore_mem>>) src(%dma_wait3A_49 : memref<10000x64xi32, #tpu.memory_space<hbm>>) dst(%arg9 : memref<80x64xi32, #tpu.memory_space<vmem>>)
    %scan3A_50 = arith.constant 0 : i32
    %scan3A_51 = arith.constant 0 : i32
    %scan3A_52 = arith.constant 80 : i32
    %scan3A_53 = arith.addi %scan3A_51, %scan3A_52 : i32
    %scan3A_54 = arith.constant 1 : i32
    %scan3A_55 = scf.for %scan3A_80 = %scan3A_51 to %scan3A_53 step %scan3A_54 iter_args(%scan3A_81 = %scan3A_50) -> (i32)  : i32 {
      %get3A = arith.index_cast %scan3A_80 : i32 to index
      %get3A_82 = arith.constant 0 : index
      %get3A_83 = tpu.vector_load %arg9[%get3A, %get3A_82] {strides = array<i32>} : memref<80x64xi32, #tpu.memory_space<vmem>>, vector<16xi32>,
      %bitcast3A = vector.bitcast %get3A_83 : vector<16xi32> to vector<32xbf16>
      %swap3A_84 = arith.index_cast %scan3A_80 : i32 to index
      %swap3A_85 = arith.constant 0 : index
      %swap3A_86 = tpu.vector_load %arg11[%swap3A_84, %swap3A_85] {strides = array<i32>} : memref<80x128xbf16, #tpu.memory_space<vmem>>, vector<32xbf16>,
      tpu.vector_store %arg11[%swap3A_84, %swap3A_85], %bitcast3A {strides = array<i32>} : memref<80x128xbf16, #tpu.memory_space<vmem>>, vector<32xbf16>,
      %get3A_87 = arith.index_cast %scan3A_80 : i32 to index
      %get3A_88 = arith.constant 16 : index
      %get3A_89 = tpu.vector_load %arg9[%get3A_87, %get3A_88] {strides = array<i32>} : memref<80x64xi32, #tpu.memory_space<vmem>>, vector<16xi32>,
      %bitcast3A_90 = vector.bitcast %get3A_89 : vector<16xi32> to vector<32xbf16>
      %swap3A_91 = arith.index_cast %scan3A_80 : i32 to index
      %swap3A_92 = arith.constant 32 : index
      %swap3A_93 = tpu.vector_load %arg11[%swap3A_91, %swap3A_92] {strides = array<i32>} : memref<80x128xbf16, #tpu.memory_space<vmem>>, vector<32xbf16>,
      tpu.vector_store %arg11[%swap3A_91, %swap3A_92], %bitcast3A_90 {strides = array<i32>} : memref<80x128xbf16, #tpu.memory_space<vmem>>, vector<32xbf16>,
      %get3A_94 = arith.index_cast %scan3A_80 : i32 to index
      %get3A_95 = arith.constant 32 : index
      %get3A_96 = tpu.vector_load %arg9[%get3A_94, %get3A_95] {strides = array<i32>} : memref<80x64xi32, #tpu.memory_space<vmem>>, vector<16xi32>,
      %bitcast3A_97 = vector.bitcast %get3A_96 : vector<16xi32> to vector<32xbf16>
      %swap3A_98 = arith.index_cast %scan3A_80 : i32 to index
      %swap3A_99 = arith.constant 64 : index
      %swap3A_100 = tpu.vector_load %arg11[%swap3A_98, %swap3A_99] {strides = array<i32>} : memref<80x128xbf16, #tpu.memory_space<vmem>>, vector<32xbf16>,
      tpu.vector_store %arg11[%swap3A_98, %swap3A_99], %bitcast3A_97 {strides = array<i32>} : memref<80x128xbf16, #tpu.memory_space<vmem>>, vector<32xbf16>,
      %get3A_101 = arith.index_cast %scan3A_80 : i32 to index
      %get3A_102 = arith.constant 48 : index
      %get3A_103 = tpu.vector_load %arg9[%get3A_101, %get3A_102] {strides = array<i32>} : memref<80x64xi32, #tpu.memory_space<vmem>>, vector<16xi32>,
      %bitcast3A_104 = vector.bitcast %get3A_103 : vector<16xi32> to vector<32xbf16>
      %swap3A_105 = arith.index_cast %scan3A_80 : i32 to index
      %swap3A_106 = arith.constant 96 : index
      %swap3A_107 = tpu.vector_load %arg11[%swap3A_105, %swap3A_106] {strides = array<i32>} : memref<80x128xbf16, #tpu.memory_space<vmem>>, vector<32xbf16>,
      tpu.vector_store %arg11[%swap3A_105, %swap3A_106], %bitcast3A_104 {strides = array<i32>} : memref<80x128xbf16, #tpu.memory_space<vmem>>, vector<32xbf16>,
      %scan3A_108 = arith.constant 0 : i32
      scf.yield %scan3A_108 : i32
    }
    %scan3A_56 = arith.constant 80 : i32
    %dma_start3A_57 = arith.constant 9920 : i32
    %dma_start3A_58 = tpu.memref_slice %arg7[%dma_start3A_57] : memref<10000xi32, #tpu.memory_space<vmem>> -> memref<80xi32, #tpu.memory_space<vmem>>
    %dma_start3A_59 = arith.constant 0 : i32
    %dma_start3A_60 = arith.constant 0 : i32
    %dma_start3A_61 = tpu.memref_slice %arg13[%dma_start3A_59, %dma_start3A_60] : memref<10000x128xbf16, #tpu.memory_space<vmem_shared>> -> memref<10000x128xbf16, #tpu.memory_space<vmem_shared>>
    tpu.enqueue_indirect_dma source(%arg11 : memref<80x128xbf16, #tpu.memory_space<vmem>>) target(%dma_start3A_61 : memref<10000x128xbf16, #tpu.memory_space<vmem_shared>>) offsets(%dma_start3A_58 : memref<80xi32, #tpu.memory_space<vmem>>) semaphore(%arg18 : memref<!tpu.dma_semaphore, #tpu.memory_space<semaphore_mem>>) {add = true}
    %scan3A_62 = arith.constant 0 : i32
    %scan3A_63 = arith.constant 5 : i32
    %scan3A_64 = arith.addi %scan3A_62, %scan3A_63 : i32
    %scan3A_65 = arith.constant 1 : i32
    %scan3A_66 = scf.for %scan3A_80 = %scan3A_62 to %scan3A_64 step %scan3A_65 iter_args(%scan3A_81 = %scan3A_44) -> (vector<16xf32>)  : i32 {
      %mul3A_82 = arith.constant 16 : i32
      %mul3A_83 = arith.muli %scan3A_80, %mul3A_82 : i32
      %add3A_84 = arith.constant 9920 : i32
      %add3A_85 = arith.addi %add3A_84, %mul3A_83 : i32
      %get3A = arith.index_cast %add3A_85 : i32 to index
      %get3A_86 = tpu.vector_load %arg7[%get3A] {strides = array<i32>} : memref<10000xi32, #tpu.memory_space<vmem>>, vector<16xi32>,
      %mul3A_87 = arith.constant 16 : i32
      %mul3A_88 = arith.muli %scan3A_80, %mul3A_87 : i32
      %add3A_89 = arith.constant 9920 : i32
      %add3A_90 = arith.addi %add3A_89, %mul3A_88 : i32
      %get3A_91 = arith.index_cast %add3A_90 : i32 to index
      %get3A_92 = tpu.vector_load %arg8[%get3A_91] {strides = array<i32>} : memref<10000xi32, #tpu.memory_space<vmem>>, vector<16xi32>,
      %gather3A = tpu.vector_load_idx %arg14[%get3A_86] : memref<10000xi32, #tpu.memory_space<vmem>>[vector<16xi32>], vector<16xi32>,
      %gather3A_93 = tpu.vector_load_idx %arg14[%get3A_92] : memref<10000xi32, #tpu.memory_space<vmem>>[vector<16xi32>], vector<16xi32>,
      %shift_left3A = arith.constant 16 : i32
      %shift_left3A_94 = vector.broadcast %shift_left3A : i32 to vector<16xi32>
      %shift_left3A_95 = arith.shli %gather3A, %shift_left3A_94 : vector<16xi32>
      %bitcast3A = vector.bitcast %shift_left3A_95 : vector<16xi32> to vector<16xf32>
      %and3A = arith.constant -65536 : i32
      %and3A_96 = vector.broadcast %and3A : i32 to vector<16xi32>
      %and3A_97 = arith.andi %gather3A_93, %and3A_96 : vector<16xi32>
      %bitcast3A_98 = vector.bitcast %and3A_97 : vector<16xi32> to vector<16xf32>
      %add3A_99 = arith.addf %scan3A_81, %bitcast3A : vector<16xf32>
      %add3A_100 = arith.addf %add3A_99, %bitcast3A_98 : vector<16xf32>
      scf.yield %add3A_100 : vector<16xf32>
    }
    %scan3A_67 = arith.constant 5 : i32
    %dma_wait3A_68 = arith.constant 9920 : i32
    %dma_wait3A_69 = tpu.memref_slice %arg7[%dma_wait3A_68] : memref<10000xi32, #tpu.memory_space<vmem>> -> memref<80xi32, #tpu.memory_space<vmem>>
    %dma_wait3A_70 = arith.constant 0 : i32
    %dma_wait3A_71 = arith.constant 0 : i32
    %dma_wait3A_72 = tpu.memref_slice %arg13[%dma_wait3A_70, %dma_wait3A_71] : memref<10000x128xbf16, #tpu.memory_space<vmem_shared>> -> memref<10000x128xbf16, #tpu.memory_space<vmem_shared>>
    tpu.wait_indirect_dma semaphore(%arg18 : memref<!tpu.dma_semaphore, #tpu.memory_space<semaphore_mem>>) src(%arg11 : memref<80x128xbf16, #tpu.memory_space<vmem>>) dst(%dma_wait3A_72 : memref<10000x128xbf16, #tpu.memory_space<vmem_shared>>)
    %swap3A = arith.constant 0 : index
    %swap3A_73 = tpu.vector_load %arg15[%swap3A] {strides = array<i32>} : memref<16xf32, #tpu.memory_space<vmem>>, vector<16xf32>,
    tpu.vector_store %arg15[%swap3A], %scan3A_66 {strides = array<i32>} : memref<16xf32, #tpu.memory_space<vmem>>, vector<16xf32>,
    "tpu.region"() ({
      %run_scoped3A_80 = tpu.sem_alloc : memref<!tpu.dma_semaphore, #tpu.memory_space<semaphore_mem>>
      %dma_start3A_81 = arith.constant 0 : i32
      %dma_start3A_82 = tpu.memref_slice %arg5[%add3A, %dma_start3A_81] : memref<32x16xf32, #tpu.memory_space<hbm>> -> memref<1x16xf32, #tpu.memory_space<hbm>>
      %dma_start3A_83 = tpu.memref_squeeze %dma_start3A_82 : memref<1x16xf32, #tpu.memory_space<hbm>> -> memref<16xf32, #tpu.memory_space<hbm>>
      %dma_start3A_84 = arith.constant 0 : i32
      %dma_start3A_85 = tpu.memref_slice %arg5[%add3A, %dma_start3A_84] : memref<32x16xf32, #tpu.memory_space<hbm>> -> memref<1x16xf32, #tpu.memory_space<hbm>>
      %dma_start3A_86 = tpu.memref_squeeze %dma_start3A_85 : memref<1x16xf32, #tpu.memory_space<hbm>> -> memref<16xf32, #tpu.memory_space<hbm>>
      tpu.enqueue_dma source(%arg15 : memref<16xf32, #tpu.memory_space<vmem>>) target(%dma_start3A_86 : memref<16xf32, #tpu.memory_space<hbm>>) target_semaphore(%run_scoped3A_80 : memref<!tpu.dma_semaphore, #tpu.memory_space<semaphore_mem>>)
      %dma_wait3A_87 = arith.constant 0 : i32
      %dma_wait3A_88 = tpu.memref_slice %arg5[%add3A, %dma_wait3A_87] : memref<32x16xf32, #tpu.memory_space<hbm>> -> memref<1x16xf32, #tpu.memory_space<hbm>>
      %dma_wait3A_89 = tpu.memref_squeeze %dma_wait3A_88 : memref<1x16xf32, #tpu.memory_space<hbm>> -> memref<16xf32, #tpu.memory_space<hbm>>
      %dma_wait3A_90 = arith.constant 0 : i32
      %dma_wait3A_91 = tpu.memref_slice %arg5[%add3A, %dma_wait3A_90] : memref<32x16xf32, #tpu.memory_space<hbm>> -> memref<1x16xf32, #tpu.memory_space<hbm>>
      %dma_wait3A_92 = tpu.memref_squeeze %dma_wait3A_91 : memref<1x16xf32, #tpu.memory_space<hbm>> -> memref<16xf32, #tpu.memory_space<hbm>>
      tpu.wait_dma2 semaphore(%run_scoped3A_80 : memref<!tpu.dma_semaphore, #tpu.memory_space<semaphore_mem>>) src(%arg15 : memref<16xf32, #tpu.memory_space<vmem>>) dst(%dma_wait3A_92 : memref<16xf32, #tpu.memory_space<hbm>>)
      tpu.yield
    }) : () -> ()
    %barrier3A_74 = arith.constant 0 : index
    tpu.barrier barrier_id(%barrier3A_74)
    "tpu.region"() ({
      %run_scoped3A_80 = tpu.sem_alloc : memref<!tpu.dma_semaphore, #tpu.memory_space<semaphore_mem>>
      %dma_start3A_81 = arith.constant 0 : i32
      %dma_start3A_82 = tpu.memref_slice %arg6[%arg0, %mul3A_11, %dma_start3A_81] : memref<2x10000x128xbf16, #tpu.memory_space<hbm>> -> memref<1x624x128xbf16, #tpu.memory_space<hbm>>
      %dma_start3A_83 = tpu.memref_squeeze %dma_start3A_82 : memref<1x624x128xbf16, #tpu.memory_space<hbm>> -> memref<624x128xbf16, #tpu.memory_space<hbm>>
      %dma_start3A_84 = arith.constant 0 : i32
      %dma_start3A_85 = tpu.memref_slice %arg13[%mul3A_11, %dma_start3A_84] : memref<10000x128xbf16, #tpu.memory_space<vmem_shared>> -> memref<624x128xbf16, #tpu.memory_space<vmem_shared>>
      tpu.enqueue_dma source(%dma_start3A_85 : memref<624x128xbf16, #tpu.memory_space<vmem_shared>>) target(%dma_start3A_83 : memref<624x128xbf16, #tpu.memory_space<hbm>>) target_semaphore(%run_scoped3A_80 : memref<!tpu.dma_semaphore, #tpu.memory_space<semaphore_mem>>)
      %dma_wait3A_86 = arith.constant 0 : i32
      %dma_wait3A_87 = tpu.memref_slice %arg6[%arg0, %mul3A_11, %dma_wait3A_86] : memref<2x10000x128xbf16, #tpu.memory_space<hbm>> -> memref<1x624x128xbf16, #tpu.memory_space<hbm>>
      %dma_wait3A_88 = tpu.memref_squeeze %dma_wait3A_87 : memref<1x624x128xbf16, #tpu.memory_space<hbm>> -> memref<624x128xbf16, #tpu.memory_space<hbm>>
      %dma_wait3A_89 = arith.constant 0 : i32
      %dma_wait3A_90 = tpu.memref_slice %arg13[%mul3A_11, %dma_wait3A_89] : memref<10000x128xbf16, #tpu.memory_space<vmem_shared>> -> memref<624x128xbf16, #tpu.memory_space<vmem_shared>>
      tpu.wait_dma2 semaphore(%run_scoped3A_80 : memref<!tpu.dma_semaphore, #tpu.memory_space<semaphore_mem>>) src(%dma_wait3A_90 : memref<624x128xbf16, #tpu.memory_space<vmem_shared>>) dst(%dma_wait3A_88 : memref<624x128xbf16, #tpu.memory_space<hbm>>)
      tpu.yield
    }) : () -> ()
    %eq3A_75 = arith.constant 0 : i32
    %eq3A_76 = arith.cmpi eq, %arg1, %eq3A_75 : i32
    %convert_element_type3A_77 = arith.extui %eq3A_76 : i1 to i32
    %cond3A_78 = arith.constant 0 : i32
    %cond3A_79 = arith.cmpi ne, %convert_element_type3A_77, %cond3A_78 : i32
    scf.if %cond3A_79 {
      "tpu.region"() ({
        %run_scoped3A_80 = tpu.sem_alloc : memref<!tpu.dma_semaphore, #tpu.memory_space<semaphore_mem>>
        %dma_start3A_81 = arith.constant 9984 : i32
        %dma_start3A_82 = arith.constant 0 : i32
        %dma_start3A_83 = tpu.memref_slice %arg6[%arg0, %dma_start3A_81, %dma_start3A_82] : memref<2x10000x128xbf16, #tpu.memory_space<hbm>> -> memref<1x16x128xbf16, #tpu.memory_space<hbm>>
        %dma_start3A_84 = tpu.memref_squeeze %dma_start3A_83 : memref<1x16x128xbf16, #tpu.memory_space<hbm>> -> memref<16x128xbf16, #tpu.memory_space<hbm>>
        %dma_start3A_85 = arith.constant 9984 : i32
        %dma_start3A_86 = arith.constant 0 : i32
        %dma_start3A_87 = tpu.memref_slice %arg13[%dma_start3A_85, %dma_start3A_86] : memref<10000x128xbf16, #tpu.memory_space<vmem_shared>> -> memref<16x128xbf16, #tpu.memory_space<vmem_shared>>
        tpu.enqueue_dma source(%dma_start3A_87 : memref<16x128xbf16, #tpu.memory_space<vmem_shared>>) target(%dma_start3A_84 : memref<16x128xbf16, #tpu.memory_space<hbm>>) target_semaphore(%run_scoped3A_80 : memref<!tpu.dma_semaphore, #tpu.memory_space<semaphore_mem>>)
        %dma_wait3A_88 = arith.constant 9984 : i32
        %dma_wait3A_89 = arith.constant 0 : i32
        %dma_wait3A_90 = tpu.memref_slice %arg6[%arg0, %dma_wait3A_88, %dma_wait3A_89] : memref<2x10000x128xbf16, #tpu.memory_space<hbm>> -> memref<1x16x128xbf16, #tpu.memory_space<hbm>>
        %dma_wait3A_91 = tpu.memref_squeeze %dma_wait3A_90 : memref<1x16x128xbf16, #tpu.memory_space<hbm>> -> memref<16x128xbf16, #tpu.memory_space<hbm>>
        %dma_wait3A_92 = arith.constant 9984 : i32
        %dma_wait3A_93 = arith.constant 0 : i32
        %dma_wait3A_94 = tpu.memref_slice %arg13[%dma_wait3A_92, %dma_wait3A_93] : memref<10000x128xbf16, #tpu.memory_space<vmem_shared>> -> memref<16x128xbf16, #tpu.memory_space<vmem_shared>>
        tpu.wait_dma2 semaphore(%run_scoped3A_80 : memref<!tpu.dma_semaphore, #tpu.memory_space<semaphore_mem>>) src(%dma_wait3A_94 : memref<16x128xbf16, #tpu.memory_space<vmem_shared>>) dst(%dma_wait3A_91 : memref<16x128xbf16, #tpu.memory_space<hbm>>)
        tpu.yield
      }) : () -> ()
    } else {
    }
    return
  }
}

module attributes {stable_mosaic.version = 14 : i64} {
  func.func @_prep_body(%arg0: memref<10000x128xf32, #tpu.memory_space<vmem>>, %arg1: memref<10000x128xf32, #tpu.memory_space<vmem>>, %arg2: memref<10000x128xf32, #tpu.memory_space<vmem>>, %arg3: memref<256x128xf32, #tpu.memory_space<vmem>>, %arg4: memref<1x128xf32, #tpu.memory_space<vmem>>, %arg5: memref<10000x128xf32, #tpu.memory_space<vmem>>, %arg6: memref<10000x128xf32, #tpu.memory_space<vmem>>, %arg7: memref<10000x1xi32, #tpu.memory_space<vmem>>, %arg8: memref<1x1xf32, #tpu.memory_space<vmem>>) attributes {dimension_semantics = [], scalar_prefetch = 0 : i64, scratch_operands = 0 : i64, tpu.core_type = #tpu.core_type<tc>} {
    %get3A = arith.constant 0 : index
    %get3A_0 = arith.constant 0 : index
    %get3A_1 = vector.load %arg2[%get3A, %get3A_0] : memref<10000x128xf32, #tpu.memory_space<vmem>>, vector<10000x128xf32>
    %get3A_2 = arith.constant 0 : index
    %get3A_3 = arith.constant 0 : index
    %get3A_4 = vector.load %arg3[%get3A_2, %get3A_3] : memref<256x128xf32, #tpu.memory_space<vmem>>, vector<256x128xf32>
    %slice3A = vector.extract_strided_slice %get3A_4 {offsets = [0, 0], sizes = [128, 128], strides = [1, 1]} : vector<256x128xf32> to vector<128x128xf32>
    %dot_general3A = arith.constant dense<0.000000e+00> : vector<10000x128xf32>
    %dot_general3A_5 = tpu.matmul %get3A_1, %slice3A, %dot_general3A {dimension_numbers = #tpu.dot_dimension_numbers<[1], [0], [0], [1], [0, 0, 1, 1], [], []>, transpose_lhs_hint = false} : vector<10000x128xf32>, vector<128x128xf32>, vector<10000x128xf32> -> vector<10000x128xf32>
    %slice3A_6 = vector.extract_strided_slice %get3A_4 {offsets = [128, 0], sizes = [128, 128], strides = [1, 1]} : vector<256x128xf32> to vector<128x128xf32>
    %dot_general3A_7 = arith.constant dense<0.000000e+00> : vector<10000x128xf32>
    %dot_general3A_8 = tpu.matmul %get3A_1, %slice3A_6, %dot_general3A_7 {dimension_numbers = #tpu.dot_dimension_numbers<[1], [0], [0], [1], [0, 0, 1, 1], [], []>, transpose_lhs_hint = false} : vector<10000x128xf32>, vector<128x128xf32>, vector<10000x128xf32> -> vector<10000x128xf32>
    %get3A_9 = arith.constant 0 : index
    %get3A_10 = arith.constant 0 : index
    %get3A_11 = vector.load %arg4[%get3A_9, %get3A_10] : memref<1x128xf32, #tpu.memory_space<vmem>>, vector<1x128xf32>
    %add3A = vector.broadcast %get3A_11 : vector<1x128xf32> to vector<10000x128xf32>
    %add3A_12 = arith.addf %dot_general3A_8, %add3A : vector<10000x128xf32>
    %iota3A = tpu.iota {dimensions = array<i32: 1>} : vector<10000x128xi32>
    %lt3A = arith.constant 64 : i32
    %lt3A_13 = vector.broadcast %lt3A : i32 to vector<10000x128xi32>
    %lt3A_14 = arith.cmpi slt, %iota3A, %lt3A_13 : vector<10000x128xi32>
    %exp3A = math.exp %dot_general3A_5 : vector<10000x128xf32>
    %sub3A = arith.constant 1.000000e+00 : f32
    %sub3A_15 = vector.broadcast %sub3A : f32 to vector<10000x128xf32>
    %sub3A_16 = arith.subf %exp3A, %sub3A_15 : vector<10000x128xf32>
    %exp3A_17 = math.exp %add3A_12 : vector<10000x128xf32>
    %sub3A_18 = arith.constant 1.000000e+00 : f32
    %sub3A_19 = vector.broadcast %sub3A_18 : f32 to vector<10000x128xf32>
    %sub3A_20 = arith.subf %exp3A_17, %sub3A_19 : vector<10000x128xf32>
    %select_n3A = arith.select %lt3A_14, %dot_general3A_5, %sub3A_16 : vector<10000x128xi1>, vector<10000x128xf32>
    %swap3A = arith.constant 0 : index
    %swap3A_21 = arith.constant 0 : index
    %swap3A_22 = vector.load %arg5[%swap3A, %swap3A_21] : memref<10000x128xf32, #tpu.memory_space<vmem>>, vector<10000x128xf32>
    tpu.vector_store %arg5[%swap3A, %swap3A_21], %select_n3A {strides = array<i32>} : memref<10000x128xf32, #tpu.memory_space<vmem>>, vector<10000x128xf32>,
    %mul3A = arith.constant 2.000000e+00 : f32
    %mul3A_23 = vector.broadcast %mul3A : f32 to vector<10000x128xf32>
    %mul3A_24 = arith.mulf %mul3A_23, %add3A_12 : vector<10000x128xf32>
    %select_n3A_25 = arith.select %lt3A_14, %mul3A_24, %sub3A_20 : vector<10000x128xi1>, vector<10000x128xf32>
    %swap3A_26 = arith.constant 0 : index
    %swap3A_27 = arith.constant 0 : index
    %swap3A_28 = vector.load %arg6[%swap3A_26, %swap3A_27] : memref<10000x128xf32, #tpu.memory_space<vmem>>, vector<10000x128xf32>
    tpu.vector_store %arg6[%swap3A_26, %swap3A_27], %select_n3A_25 {strides = array<i32>} : memref<10000x128xf32, #tpu.memory_space<vmem>>, vector<10000x128xf32>,
    %mul3A_29 = arith.mulf %dot_general3A_5, %dot_general3A_5 : vector<10000x128xf32>
    %sub3A_30 = arith.subf %sub3A_16, %dot_general3A_5 : vector<10000x128xf32>
    %select_n3A_31 = arith.select %lt3A_14, %mul3A_29, %sub3A_30 : vector<10000x128xi1>, vector<10000x128xf32>
    %reduce_sum3A = arith.constant dense<0.000000e+00> : vector<10000xf32>
    %reduce_sum3A_32 = vector.multi_reduction <add>, %select_n3A_31, %reduce_sum3A [1] : vector<10000x128xf32> to vector<10000xf32>
    %broadcast_in_dim3A = vector.shape_cast %reduce_sum3A_32 : vector<10000xf32> to vector<10000x1xf32>
    %mul3A_33 = arith.mulf %add3A_12, %add3A_12 : vector<10000x128xf32>
    %sub3A_34 = arith.subf %sub3A_20, %add3A_12 : vector<10000x128xf32>
    %select_n3A_35 = arith.select %lt3A_14, %mul3A_33, %sub3A_34 : vector<10000x128xi1>, vector<10000x128xf32>
    %reduce_sum3A_36 = arith.constant dense<0.000000e+00> : vector<10000xf32>
    %reduce_sum3A_37 = vector.multi_reduction <add>, %select_n3A_35, %reduce_sum3A_36 [1] : vector<10000x128xf32> to vector<10000xf32>
    %broadcast_in_dim3A_38 = vector.shape_cast %reduce_sum3A_37 : vector<10000xf32> to vector<10000x1xf32>
    %bitcast_convert_type3A = tpu.bitcast %broadcast_in_dim3A : vector<10000x1xf32> -> vector<10000x1xi32>
    %add3A_39 = arith.constant 32768 : i32
    %add3A_40 = vector.broadcast %add3A_39 : i32 to vector<10000x1xi32>
    %add3A_41 = arith.addi %bitcast_convert_type3A, %add3A_40 : vector<10000x1xi32>
    %shift_right_logical3A = arith.constant 16 : i32
    %shift_right_logical3A_42 = vector.broadcast %shift_right_logical3A : i32 to vector<10000x1xi32>
    %shift_right_logical3A_43 = arith.shrui %add3A_41, %shift_right_logical3A_42 : vector<10000x1xi32>
    %bitcast_convert_type3A_44 = tpu.bitcast %broadcast_in_dim3A_38 : vector<10000x1xf32> -> vector<10000x1xi32>
    %add3A_45 = arith.constant 32768 : i32
    %add3A_46 = vector.broadcast %add3A_45 : i32 to vector<10000x1xi32>
    %add3A_47 = arith.addi %bitcast_convert_type3A_44, %add3A_46 : vector<10000x1xi32>
    %shift_right_logical3A_48 = arith.constant 16 : i32
    %shift_right_logical3A_49 = vector.broadcast %shift_right_logical3A_48 : i32 to vector<10000x1xi32>
    %shift_right_logical3A_50 = arith.shrui %add3A_47, %shift_right_logical3A_49 : vector<10000x1xi32>
    %shift_left3A = arith.constant 16 : i32
    %shift_left3A_51 = vector.broadcast %shift_left3A : i32 to vector<10000x1xi32>
    %shift_left3A_52 = arith.shli %shift_right_logical3A_50, %shift_left3A_51 : vector<10000x1xi32>
    %or3A = arith.ori %shift_right_logical3A_43, %shift_left3A_52 : vector<10000x1xi32>
    %bitcast_convert_type3A_53 = tpu.bitcast %or3A : vector<10000x1xi32> -> vector<10000x1xi32>
    %swap3A_54 = arith.constant 0 : index
    %swap3A_55 = arith.constant 0 : index
    %swap3A_56 = vector.load %arg7[%swap3A_54, %swap3A_55] : memref<10000x1xi32, #tpu.memory_space<vmem>>, vector<10000x1xi32>
    tpu.vector_store %arg7[%swap3A_54, %swap3A_55], %bitcast_convert_type3A_53 {strides = array<i32>} : memref<10000x1xi32, #tpu.memory_space<vmem>>, vector<10000x1xi32>,
    %get3A_57 = arith.constant 0 : index
    %get3A_58 = arith.constant 0 : index
    %get3A_59 = vector.load %arg0[%get3A_57, %get3A_58] : memref<10000x128xf32, #tpu.memory_space<vmem>>, vector<10000x128xf32>
    %get3A_60 = arith.constant 0 : index
    %get3A_61 = arith.constant 0 : index
    %get3A_62 = vector.load %arg1[%get3A_60, %get3A_61] : memref<10000x128xf32, #tpu.memory_space<vmem>>, vector<10000x128xf32>
    %sub3A_63 = arith.subf %get3A_59, %get3A_62 : vector<10000x128xf32>
    %abs3A = math.absf %sub3A_63 : vector<10000x128xf32>
    %reduce_sum3A_64 = vector.shape_cast %abs3A : vector<10000x128xf32> to vector<1x10000x128xf32>
    %reduce_sum3A_65 = arith.constant dense<0.000000e+00> : vector<1xf32>
    %reduce_sum3A_66 = vector.multi_reduction <add>, %reduce_sum3A_64, %reduce_sum3A_65 [1, 2] : vector<1x10000x128xf32> to vector<1xf32>
    %reduce_sum3A_67 = vector.shape_cast %reduce_sum3A_66 : vector<1xf32> to vector<1x1x1xf32>
    %reduce_sum3A_68 = vector.extract %reduce_sum3A_67[0, 0, 0] : f32 from vector<1x1x1xf32>
    %reshape3A = vector.broadcast %reduce_sum3A_68 : f32 to vector<1x1xf32>
    %swap3A_69 = arith.constant 0 : index
    %swap3A_70 = arith.constant 0 : index
    %swap3A_71 = vector.load %arg8[%swap3A_69, %swap3A_70] : memref<1x1xf32, #tpu.memory_space<vmem>>, vector<1x1xf32>
    tpu.vector_store %arg8[%swap3A_69, %swap3A_70], %reshape3A {strides = array<i32>} : memref<1x1xf32, #tpu.memory_space<vmem>>, vector<1x1xf32>,
    return
  }
}

module attributes {stable_mosaic.version = 14 : i64} {
  func.func @_final_body(%arg0: memref<10000x128xf32, #tpu.memory_space<vmem>>, %arg1: memref<2x10000x128xbf16, #tpu.memory_space<vmem>>, %arg2: memref<32x16xf32, #tpu.memory_space<vmem>>, %arg3: memref<1x1xf32, #tpu.memory_space<vmem>>, %arg4: memref<1x1xf32, #tpu.memory_space<vmem>>) attributes {dimension_semantics = [], scalar_prefetch = 0 : i64, scratch_operands = 0 : i64, tpu.core_type = #tpu.core_type<tc>} {
    %get3A = arith.constant 0 : index
    %get3A_0 = arith.constant 0 : index
    %get3A_1 = arith.constant 0 : index
    %get3A_2 = vector.load %arg1[%get3A, %get3A_0, %get3A_1] : memref<2x10000x128xbf16, #tpu.memory_space<vmem>>, vector<1x10000x128xbf16>
    %get3A_3 = vector.shape_cast %get3A_2 : vector<1x10000x128xbf16> to vector<10000x128xbf16>
    %convert_element_type3A = arith.extf %get3A_3 : vector<10000x128xbf16> to vector<10000x128xf32>
    %get3A_4 = arith.constant 1 : index
    %get3A_5 = arith.constant 0 : index
    %get3A_6 = arith.constant 0 : index
    %get3A_7 = vector.load %arg1[%get3A_4, %get3A_5, %get3A_6] : memref<2x10000x128xbf16, #tpu.memory_space<vmem>>, vector<1x10000x128xbf16>
    %get3A_8 = vector.shape_cast %get3A_7 : vector<1x10000x128xbf16> to vector<10000x128xbf16>
    %convert_element_type3A_9 = arith.extf %get3A_8 : vector<10000x128xbf16> to vector<10000x128xf32>
    %add3A = arith.addf %convert_element_type3A, %convert_element_type3A_9 : vector<10000x128xf32>
    %get3A_10 = arith.constant 0 : index
    %get3A_11 = arith.constant 0 : index
    %get3A_12 = vector.load %arg0[%get3A_10, %get3A_11] : memref<10000x128xf32, #tpu.memory_space<vmem>>, vector<10000x128xf32>
    %mul3A = arith.mulf %get3A_12, %add3A : vector<10000x128xf32>
    %reduce_sum3A = vector.shape_cast %mul3A : vector<10000x128xf32> to vector<1x10000x128xf32>
    %reduce_sum3A_13 = arith.constant dense<0.000000e+00> : vector<1xf32>
    %reduce_sum3A_14 = vector.multi_reduction <add>, %reduce_sum3A, %reduce_sum3A_13 [1, 2] : vector<1x10000x128xf32> to vector<1xf32>
    %reduce_sum3A_15 = vector.shape_cast %reduce_sum3A_14 : vector<1xf32> to vector<1x1x1xf32>
    %reduce_sum3A_16 = vector.extract %reduce_sum3A_15[0, 0, 0] : f32 from vector<1x1x1xf32>
    %get3A_17 = arith.constant 0 : index
    %get3A_18 = arith.constant 0 : index
    %get3A_19 = vector.load %arg2[%get3A_17, %get3A_18] : memref<32x16xf32, #tpu.memory_space<vmem>>, vector<32x16xf32>
    %reduce_sum3A_20 = vector.shape_cast %get3A_19 : vector<32x16xf32> to vector<1x32x16xf32>
    %reduce_sum3A_21 = arith.constant dense<0.000000e+00> : vector<1xf32>
    %reduce_sum3A_22 = vector.multi_reduction <add>, %reduce_sum3A_20, %reduce_sum3A_21 [1, 2] : vector<1x32x16xf32> to vector<1xf32>
    %reduce_sum3A_23 = vector.shape_cast %reduce_sum3A_22 : vector<1xf32> to vector<1x1x1xf32>
    %reduce_sum3A_24 = vector.extract %reduce_sum3A_23[0, 0, 0] : f32 from vector<1x1x1xf32>
    %add3A_25 = arith.addf %reduce_sum3A_16, %reduce_sum3A_24 : f32
    %get3A_26 = arith.constant 0 : index
    %get3A_27 = arith.constant 0 : index
    %get3A_28 = vector.load %arg3[%get3A_26, %get3A_27] : memref<1x1xf32, #tpu.memory_space<vmem>>, vector<1x1xf32>
    %get3A_29 = vector.extract %get3A_28[0, 0] : f32 from vector<1x1xf32>
    %div3A = arith.constant 1.000000e+04 : f32
    %div3A_30 = arith.divf %get3A_29, %div3A : f32
    %mul3A_31 = arith.constant 5.000000e-01 : f32
    %mul3A_32 = arith.mulf %mul3A_31, %add3A_25 : f32
    %div3A_33 = arith.constant 3.200000e+05 : f32
    %div3A_34 = arith.divf %mul3A_32, %div3A_33 : f32
    %add3A_35 = arith.addf %div3A_30, %div3A_34 : f32
    %reshape3A = vector.broadcast %add3A_35 : f32 to vector<1x1xf32>
    %swap3A = arith.constant 0 : index
    %swap3A_36 = arith.constant 0 : index
    %swap3A_37 = vector.load %arg4[%swap3A, %swap3A_36] : memref<1x1xf32, #tpu.memory_space<vmem>>, vector<1x1xf32>
    tpu.vector_store %arg4[%swap3A, %swap3A_36], %reshape3A {strides = array<i32>} : memref<1x1xf32, #tpu.memory_space<vmem>>, vector<1x1xf32>,
    return
  }
}

</mosaic_0001>

<sc_bundles>
// kernel: kernel.5.cloned.1.call-start
scs
__scs_entry_jumppad:
0x0: {  	(pc) =	sbr.rel $0x88, $3  }
0x1: {  	(tag) =	ssettag $0x0;
	lr =	simm.s32 $0x1  }
0x2: {  	[smem:$0x3F9B] =	sst lr;
	_ =	strace $0xD0000000  }
0x3: {  	_ = 	snop  }
0x4: {  	_ = 	snop  }
0x5: {  	_ = 	snop  }
0x6: {  	_ = 	snop  }
0x7: {  	_ = 	snop  }
__scs_overlays_trampoline_lowered:
0x8: {  	[smem:$0x3FAA] =	sst s0  }
0x9: {  	[smem:$0x3FAB] =	sst s1  }
0xa: {  	[smem:$0x3FAC] =	sst s2  }
0xb: {  	[smem:$0x3FAD] =	sst s3  }
0xc: {  	[smem:$0x3FAE] =	sst s4  }
0xd: {  	[smem:$0x3FAF] =	sst s5  }
0xe: {  	[smem:$0x3FB0] =	sst s6  }
0xf: {  	[smem:$0x3FB1] =	sst s7  }
0x10: {  	[smem:$0x3FB2] =	sst s8  }
0x11: {  	[smem:$0x3FB3] =	sst s9;
	s0 =	simm.s32 @!p0 $0x0  }
0x12: {  	s1 =	sld [smem:$0x3F99];
	s0 =	simm.s32 @p0 $0x1  }
0x13: {  	[smem:$0x3FB4] =	sst s0;
	s0 =	simm.s32 @!p1 $0x0  }
0x14: {  	s2 =	sld [smem:$0x3F98];
	s0 =	simm.s32 @p1 $0x1  }
0x15: {  	[smem:$0x3FB5] =	sst s0;
	s0 =	simm.s32 @!p2 $0x0  }
0x16: {  	s3 =	sld [smem:$0x3FDB];
	s0 =	simm.s32 @p2 $0x1  }
0x17: {  	s4 =	simm.s32 $0x1BF5;
	[smem:$0x3FB7] =	sst s0  }
0x18: {  	s0 =	sld [smem:$0x3F9A];
	_ =	swait.ge [sflag:s4], $0x0  }
0x19: {  	s7 =	sld [smem:$0x3F9B]  }
0x1a: {  	s8 =	sadd.s32 $0xFFFFE003, lr  }
0x1b: {  	s9 =	sadd.s32 $0xFFFFFEF7, lr;
	s5 =	simm.s32 $0xFFFFFFFF;
	p2 =	slt.u32 s8, $0xFFFFF086  }
0x1c: {  	p1 =	slt.u32 s9, $0xF7A;
	s5 =	simm.s32 @!p2 $0x0  }
0x1d: {  	s5 =	simm.s32 @p1 $0x1;
	p0 =	seq.s32 s7, s2  }
0x1e: {  	s7 =	smul.u32 @!p0 $0xF7A, s2;
	p2 =	seq.s32 @!p0 s5, $0x0  }
0x1f: {  	s9 =	smul.u32 $0xF7A, s1;
	s8 =	simm.s32 @!p0 $0x1BF5;
	p2 =	por !p2, p0  }
0x20: {  	[sflag:s8] =	ssyncset.s32 @!p0 $0xFFFFF086;
	s6 =	sadd.s32 @!p0 s3, s7;
	s7 =	simm.s32 @!p0 $0x108  }
0x21: {  	s3 =	sadd.s32 s3, s9;
	s6 =	sadd.s32 @!p0 $0x88, s6;
	s7 =	simm.s32 @p2 $0x1082  }
0x22: {  	[simem:s7], [sflag:s8] =	dma.local @!p0 [hbm:s6], $0xF7A  }
0x23: {  	s9 =	sor.u32 $0xD0000000, s2;
	s6 =	simm.s32 $0x108;
	_ =	swait.ge @!p0 [sflag:s8], $0x0  }
0x24: {  	s3 =	sadd.s32 $0x88, s3;
	s6 =	simm.s32 @!p1 $0x1082;
	[sflag:s4] =	ssyncset.s32 $0xFFFFF086  }
0x25: {  	[simem:s6], [sflag:s4] =	dma.local [hbm:s3], $0xF7A  }
0x26: {  	[smem:$0x3F9B] =	sst s1;
	(tag) =	ssettag s2;
	_ =	strace s9  }
0x27: {  	s1 =	sld [smem:$0x3FAB]  }
0x28: {  	s2 =	sld [smem:$0x3FAC]  }
0x29: {  	s4 =	sld [smem:$0x3FAE]  }
0x2a: {  	p0 =	seq.s32 s5, $0x0;
	s5 =	sld [smem:$0x3FAF]  }
0x2b: {  	s6 =	sld [smem:$0x3FB0]  }
0x2c: {  	s7 =	sld [smem:$0x3FB1]  }
0x2d: {  	s3 =	simm.s32 $0x108;
	s8 =	sld [smem:$0x3FB2]  }
0x2e: {  	s3 =	simm.s32 @!p0 $0x1082;
	s9 =	sld [smem:$0x3FB3]  }
0x2f: {  	lr =	sadd.s32 s0, s3;
	s0 =	sld [smem:$0x3FAA]  }
0x30: {  	s3 =	sld [smem:$0x3FAD]  }
0x31: {  	[smem:$0x3FB6] =	sst s10  }
0x32: {  	s10 =	sld [smem:$0x3FB4];
	_ =	sdelay $0x3  }
0x33: {  	p0 =	seq.s32 s10, $0x1;
	s10 =	sld [smem:$0x3FB6];
	_ =	sdelay $0x3  }
0x34: {  	[smem:$0x3FB6] =	sst s10  }
0x35: {  	s10 =	sld [smem:$0x3FB5];
	_ =	sdelay $0x3  }
0x36: {  	p1 =	seq.s32 s10, $0x1;
	s10 =	sld [smem:$0x3FB6];
	_ =	sdelay $0x3  }
0x37: {  	[smem:$0x3FB6] =	sst s10  }
0x38: {  	s10 =	sld [smem:$0x3FB7]  }
0x39: {  	_ = 	snop;
	(pc) =	sbr.ind lr, $3  }
0x3a: {  	_ = 	snop  }
0x3b: {  	_ = 	snop  }
0x3c: {  	p2 =	seq.s32 s10, $0x1;
	s10 =	sld [smem:$0x3FB6]  }
0x3d: {  	_ =	shalt  }
0x3e: {  	_ =	shalt  }
0x3f: {  	_ =	shalt  }
0x40: {  	_ =	shalt  }
0x41: {  	_ =	shalt  }
0x42: {  	_ =	shalt  }
0x43: {  	_ =	shalt  }
0x44: {  	_ =	shalt  }
0x45: {  	_ =	shalt  }
0x46: {  	_ =	shalt  }
0x47: {  	_ =	shalt  }
0x48: {  	_ =	shalt  }
0x49: {  	_ =	shalt  }
0x4a: {  	_ =	shalt  }
0x4b: {  	_ =	shalt  }
0x4c: {  	_ =	shalt  }
0x4d: {  	_ =	shalt  }
0x4e: {  	_ =	shalt  }
0x4f: {  	_ =	shalt  }
0x50: {  	_ =	shalt  }
0x51: {  	_ =	shalt  }
0x52: {  	_ =	shalt  }
0x53: {  	_ =	shalt  }
0x54: {  	_ =	shalt  }
0x55: {  	_ =	shalt  }
0x56: {  	_ =	shalt  }
0x57: {  	_ =	shalt  }
0x58: {  	_ =	shalt  }
0x59: {  	_ =	shalt  }
0x5a: {  	_ =	shalt  }
0x5b: {  	_ =	shalt  }
0x5c: {  	_ =	shalt  }
0x5d: {  	_ =	shalt  }
0x5e: {  	_ =	shalt  }
0x5f: {  	_ =	shalt  }
0x60: {  	_ =	shalt  }
0x61: {  	_ =	shalt  }
0x62: {  	_ =	shalt  }
0x63: {  	_ =	shalt  }
0x64: {  	_ =	shalt  }
0x65: {  	_ =	shalt  }
0x66: {  	_ =	shalt  }
0x67: {  	_ =	shalt  }
0x68: {  	_ =	shalt  }
0x69: {  	_ =	shalt  }
0x6a: {  	_ =	shalt  }
0x6b: {  	_ =	shalt  }
0x6c: {  	_ =	shalt  }
0x6d: {  	_ =	shalt  }
0x6e: {  	_ =	shalt  }
0x6f: {  	_ =	shalt  }
0x70: {  	_ =	shalt  }
0x71: {  	_ =	shalt  }
0x72: {  	_ =	shalt  }
0x73: {  	_ =	shalt  }
0x74: {  	_ =	shalt  }
0x75: {  	_ =	shalt  }
0x76: {  	_ =	shalt  }
0x77: {  	_ =	shalt  }
0x78: {  	_ =	shalt  }
0x79: {  	_ =	shalt  }
0x7a: {  	_ =	shalt  }
0x7b: {  	_ =	shalt  }
0x7c: {  	_ =	shalt  }
0x7d: {  	_ =	shalt  }
0x7e: {  	_ =	shalt  }
0x7f: {  	_ =	shalt  }
0x80: {  	_ =	shalt  }
0x81: {  	_ =	shalt  }
0x82: {  	_ =	shalt  }
0x83: {  	_ =	shalt  }
0x84: {  	_ =	shalt  }
0x85: {  	_ =	shalt  }
0x86: {  	_ =	shalt  }
0x87: {  	_ =	shalt  }
.Lfunc_end0:
.L_simem_size_0:
called_computation_lowered:
.L_overlay_start_0:
0x88: {  	s2 =	sld [smem:$0x3FD9]  }
0x89: {  	s3 =	sld [smem:$0x3FFE];
	_ =	sdelay $0x1  }
0x8a: {  	s1 =	srdreg.scid  }
0x8b: {  	s0 =	sand.u32 $0x1, s1  }
0x8c: {  	s16 =	sshll.u32 s0, $0xA;
	s2 =	sadd.s32 s3, s2  }
0x8d: {  	s2 =	sadd.s32 s2, s16  }
0x8e: {  	[smem:$0x3FC2] =	sst s2  }
0x8f: {  	_ = 	snop  }
0x90: {  	(tm) =	ssettm $0x1  }
0x91: {  	s17 =	sld [smem:$0x3FFB];
	_ =	sdelay $0x3  }
0x92: {  	_ =	strace s17  }
0x93: {  	s2 =	sld [smem:$0x3FFC];
	_ =	sdelay $0x3  }
0x94: {  	_ =	strace s2  }
0x95: {  	s2 =	sld [smem:$0x3FFD];
	_ =	sdelay $0x3  }
0x96: {  	_ =	strace s2  }
0x97: {  	_ =	strace $0x8FFFFFFF  }
0x98: {  	s18 =	sld [smem:$0x3FDB];
	_ =	sdelay $0x1  }
0x99: {  	s19 =	simm.s32 $_scs_section_size  }
0x9a: {  	s4 =	simm.s32 $_size__tile_overlayer_lowered;
	s5 =	simm.s32 $_tile_overlayer_lowered  }
0x9b: {  	s22 =	simm.s32 $0x1BFF;
	s21 =	sshll.u32 s5, $0x1;
	s2 =	sadd.s32 s19, s18  }
0x9c: {  	s6 =	simm.s32 $0x0;
	s20 =	sshll.u32 s4, $0x1;
	s4 =	sadd.s32 s21, s2  }
0x9d: {  	[timem:s6], [sflag:s22] =	dma.local [hbm:s4], s20  }
0x9e: {  	_ =	swait.ge [sflag:s22], s20  }
0x9f: {  	s3 =	ssub.s32 $0x0, s20;
	[sflag:s22] =	ssyncset.done $0x0  }
0xa0: {  	[sflag:s22] =	ssyncadd.s32 s3;
	_ =	sdelay $0x1  }
0xa1: {  	s23 =	simm.s32 $0x1B8B  }
0xa2: {  	_ =	swait.ge [sflag:s23], $0x1  }
0xa3: {  	[sflag:s23] =	ssyncset.done $0x0  }
0xa4: {  	s25 =	simm.s32 $0x1B8E;
	s24 =	sld [smem:$0x3FFE];
	[sflag:s23] =	ssyncadd.s32 $0xFFFFFFFF  }
0xa5: {  	s26 =	simm.s32 $execute0_lowered;
	[smem:$0x3FD2] =	sst s25  }
0xa6: {  	s4 =	sshll.u32 s26, $0x1;
	_ =	strace $0x80000046;
	[dreg:$0x1] =	wrdreg $0xFFFFFFFF  }
0xa7: {  	s28 =	simm.s32 $_size_execute0_lowered;
	s2 =	sadd.s32 s2, s4;
	[dreg:$0x0] =	wrdreg $0x0  }
0xa8: {  	s4 =	sshll.u32 s28, $0x1;
	[dreg:$0x2] =	wrdreg s2  }
0xa9: {  	[dreg:$0x3] =	wrdreg s4  }
0xaa: {  	[dreg:$0x4] =	wrdreg $0xC0  }
0xab: {  	_ =	task [dreg:s6], $0x5FFFF  }
0xac: {  	[dreg:$0x1] =	wrdreg $0xFFFFFFFF  }
0xad: {  	[dreg:$0x0] =	wrdreg $0x60  }
0xae: {  	[dreg:$0x2] =	wrdreg s24  }
0xaf: {  	[dreg:$0x3] =	wrdreg $0x9E200  }
0xb0: {  	[dreg:$0x4] =	wrdreg $0x9  }
0xb1: {  	_ =	task.clear_ibuf [dreg:s6], $0x5FFFF;
	_ =	strace $0x90000046  }
0xb2: {  	s29 =	simm.s32 $0x9;
	_ =	strace $0x80000048  }
0xb3: {  	_ =	swait.ge [sflag:s29], $0x1  }
0xb4: {  	[sflag:s29] =	ssyncadd.s32 $0xFFFFFFFF  }
0xb5: {  	_ =	strace $0x90000048  }
0xb6: {  	_ =	sfence  }
0xb7: {  	s30 =	sld [smem:$0x0];
	_ =	sdelay $0x2  }
0xb8: {  	s31 =	sshll.u32 s1, $0xD;
	s1 =	sshrl.u32 s1, $0x2  }
0xb9: {  	s3 =	sand.u32 $0x4000, s31;
	s1 =	sadd.s32 s1, s30  }
0xba: {  	s0 =	sor.u32 s3, s0;
	s1 =	sshll.u32 s1, $0x11  }
0xbb: {  	s0 =	sor.u32 s1, s0  }
0xbc: {  	s0 =	sadd.s32 $0x8F2B, s0  }
0xbd: {  	[sflag:s0] =	ssyncadd.remote.s32 $0x1  }
0xbe: {  	_ =	sfence.sel $0xFFFF  }
0xbf: {  	[dreg:$0x0] =	wrdreg $0xFFFFFFFF;
	(pc) =	sbr.abs _section_cstart, $3  }
0xc0: {  	[dreg:$0x1] =	wrdreg $0xFFFFFFFF  }
0xc1: {  	_ =	task.clear_ibuf [dreg:s6], $0x2FFFF;
	_ =	strace $0x9FFFFFFF  }
0xc2: {  	(tm) =	ssettm $0x7FFFFFFF  }
0xc3: {  	_ =	shalt  }
tec
execute0_lowered:
.L_overlay_start_1:
0x0: {  	(tag) =	ssettag $0x1  }
0x1: {  	s0 =	srdreg.scid;
	s1 =	rddreg [dreg:$0x0]  }
0x2: {  	s11 =	stileid.u32;
	s2 =	rddreg [dreg:$0x1];
	s30 =	simm.s32 $0x1  }
0x3: {  	s31 =	simm.s32 $0x2;
	s28 =	simm.s32 $0x4;
	s29 =	simm.s32 $0x0  }
0x4: {  	s0 =	sand.u32 $0x1, s0;
	s3 =	sshll.u32 s11, $0x1;
	s8 =	smul.u32 $0x27000, s11  }
0x5: {  	s7 =	sadd.s32 $0x27E00, s1;
	s10 =	smul.u32 $0x13800, s11;
	s16 =	sadd.s32 $0x9C000, s2  }
0x6: {  	s5 =	sor.u32 s0, s3;
	s20 =	ssub.s32 $0x2, s0;
	s0 =	smul.u32 $0x138800, s0  }
0x7: {  	p0 =	sne.s32 s11, $0x0;
	s3 =	simm.s32 $0x0;
	s4 =	smul.u32 $0x2710, s5  }
0x8: {  	[smem:$0x7FF] =	sst s3;
	s5 =	sshll.u32 s5, $0x1;
	s9 =	sshrl.u32 s20, $0x1  }
0x9: {  	s8 =	sshrl.u32 s8, $0x2;
	s22 =	sshrl.u32 s10, $0x1;
	_ =	strace $0x80000047  }
0xa: {  	[dreg:$0x3] =	wrdreg s7;
	s5 =	sadd.s32 s5, s1;
	s7 =	ssub.s32 s20, s9  }
0xb: {  	s15 =	sadd.s32 s8, s2;
	s8 =	sadd.s32 s22, s2;
	s26 =	sadd.s32 s10, s0  }
0xc: {  	s0 =	sshrl.u32 s0, $0x4;
	s22 =	simm.s32 $0x2710;
	s4 =	sshrl.u32 s4, $0x3  }
0xd: {  	s23 =	sadd.s32 $0x1400, s15;
	s24 =	sadd.s32 $0x2800, s15;
	s25 =	sadd.s32 $0x3C00, s15  }
0xe: {  	s12 =	sadd.s32 $0x5000, s15;
	s13 =	sadd.s32 $0x6400, s15;
	s14 =	sadd.s32 $0x7800, s15  }
0xf: {  	s15 =	sadd.s32 $0x8C00, s15;
	s17 =	sadd.s32 $0x4F600, s5;
	[dreg:$0x6] =	wrdreg s23  }
0x10: {  	s20 =	smax.u32 s7, $0x1;
	s6 =	sadd.s32 s4, s1;
	[dreg:$0x7] =	wrdreg s24  }
0x11: {  	s4 =	sadd.s32 $0x14400, s1;
	s1 =	sadd.s32 $0x28400, s1;
	[dreg:$0x8] =	wrdreg s25  }
0x12: {  	s23 =	simm.s32 $0x13A60;
	s24 =	simm.s32 $0x7620;
	s21 =	sadd.s32 $0x800, s6  }
0x13: {  	s25 =	simm.s32 $0x50;
	s6 =	sadd.s32 $0xA440, s6;
	[dreg:$0x4] =	wrdreg s21  }
0x14: {  	s0 =	sadd.s32 s1, s0;
	[dreg:$0x5] =	wrdreg s6;
	s6 =	sshrl.u32 s26, $0x4  }
0x15: {  	s19 =	sadd.s32 $0x13800, s0;
	s21 =	simm.s32 $0x5;
	s26 =	simm.s32 $0x4E20  }
0x16: {  	v0 =	vimm.bf16 $0.0e+00;
	s0 =	simm.s32 $0x3;
	s18 =	sadd.s32 s1, s6;
	s1 =	simm.s32 $0x8A20  }
.LBB2_1:
0x17: {  	s5 =	rddreg [dreg:$0x4]  }
0x18: {  	[tilespmem:s3], [sflag:$0x5] =	stream.linear.gather [hbm4b:s5+s3], $0x2710, $0x38;
	[tilespmem:$0x16180] =	vst v63  }
0x19: {  	_ =	swait.ge [sflag:s21], $0x2710  }
0x1a: {  	[sflag:s21] =	ssyncset.done $0x0  }
0x1b: {  	s10 =	rddreg [dreg:$0x5];
	[sflag:s21] =	ssyncadd.s32 $0xFFFFD8F0  }
0x1c: {  	[tilespmem:s22], [sflag:$0x5] =	stream.linear.gather [hbm4b:s10+s3], $0x2710, $0x38;
	[tilespmem:$0x16180] =	vst v63  }
0x1d: {  	_ =	swait.ge [sflag:s21], $0x2710  }
0x1e: {  	[sflag:s21] =	ssyncset.done $0x0  }
0x1f: {  	s11 =	rddreg [dreg:$0x3];
	[sflag:s21] =	ssyncadd.s32 $0xFFFFD8F0  }
0x20: {  	[tilespmem:s23], [sflag:$0x5] =	stream.linear.gather [hbm4b:s11+s3], $0x2710, $0x38;
	[tilespmem:$0x16180] =	vst v63  }
0x21: {  	_ =	swait.ge [sflag:s21], $0x2710  }
0x22: {  	[sflag:s21] =	ssyncset.done $0x0  }
0x23: {  	s6 =	simm.s32 $0x100;
	s5 =	simm.s32 $0x0;
	[sflag:s21] =	ssyncadd.s32 $0xFFFFD8F0  }
.LBB2_2:
0x24: {  	p1 =	sne.s32 s6, $0x4F00;
	[tilespmem:s5+$0x7650] =	vst v0;
	s7 =	smov.u32 s6;
	s6 =	sadd.s32 $0x100, s6  }
.Ltmp0:
0x25: {  	[tilespmem:s5+$0x7640] =	vst v0;
	(pc) =	sbr.rel @p1 .LBB2_2-.Ltmp0, $3  }
0x26: {  	[tilespmem:s5+$0x7620] =	vst v0  }
0x27: {  	[tilespmem:s5+$0x7630] =	vst v0;
	_ =	sdelay $0x1  }
0x28: {  	s5 =	sshra.s32 s7, $0x2  }
0x29: {  	[tilespmem:s5+$0x7650] =	vst v0  }
0x2a: {  	[tilespmem:s5+$0x7640] =	vst v0  }
0x2b: {  	[tilespmem:s5+$0x7620] =	vst v0  }
0x2c: {  	[tilespmem:s5+$0x7630] =	vst v0  }
0x2d: {  	[spmem:s8] =	stream.linear.scatter [tilespmem:s24], [sflag:$0x5], $0x1400, $0x38;
	[tilespmem:$0x16180] =	vst v63  }
0x2e: {  	_ =	swait.ge [sflag:s21], $0x1400  }
0x2f: {  	[sflag:s21] =	ssyncset.done $0x0  }
0x30: {  	s7 =	rddreg [dreg:$0x6];
	[sflag:s21] =	ssyncadd.s32 $0xFFFFEC00  }
0x31: {  	[spmem:s7] =	stream.linear.scatter [tilespmem:s24], [sflag:$0x5], $0x1400, $0x38;
	[tilespmem:$0x16180] =	vst v63  }
0x32: {  	_ =	swait.ge [sflag:s21], $0x1400  }
0x33: {  	[sflag:s21] =	ssyncset.done $0x0  }
0x34: {  	s9 =	rddreg [dreg:$0x7];
	[sflag:s21] =	ssyncadd.s32 $0xFFFFEC00  }
0x35: {  	[spmem:s9] =	stream.linear.scatter [tilespmem:s24], [sflag:$0x5], $0x1400, $0x38;
	[tilespmem:$0x16180] =	vst v63  }
0x36: {  	_ =	swait.ge [sflag:s21], $0x1400  }
0x37: {  	[sflag:s21] =	ssyncset.done $0x0  }
0x38: {  	s10 =	rddreg [dreg:$0x8];
	[sflag:s21] =	ssyncadd.s32 $0xFFFFEC00  }
0x39: {  	[spmem:s10] =	stream.linear.scatter [tilespmem:s24], [sflag:$0x5], $0x1400, $0x38;
	[tilespmem:$0x16180] =	vst v63  }
0x3a: {  	_ =	swait.ge [sflag:s21], $0x1400  }
0x3b: {  	[sflag:s21] =	ssyncset.done $0x0  }
0x3c: {  	[sflag:s21] =	ssyncadd.s32 $0xFFFFEC00  }
0x3d: {  	[spmem:s12] =	stream.linear.scatter [tilespmem:s24], [sflag:$0x5], $0x1400, $0x38;
	[tilespmem:$0x16180] =	vst v63  }
0x3e: {  	_ =	swait.ge [sflag:s21], $0x1400  }
0x3f: {  	[sflag:s21] =	ssyncset.done $0x0  }
0x40: {  	[sflag:s21] =	ssyncadd.s32 $0xFFFFEC00  }
0x41: {  	[spmem:s13] =	stream.linear.scatter [tilespmem:s24], [sflag:$0x5], $0x1400, $0x38;
	[tilespmem:$0x16180] =	vst v63  }
0x42: {  	_ =	swait.ge [sflag:s21], $0x1400  }
0x43: {  	[sflag:s21] =	ssyncset.done $0x0  }
0x44: {  	[sflag:s21] =	ssyncadd.s32 $0xFFFFEC00  }
0x45: {  	[spmem:s14] =	stream.linear.scatter [tilespmem:s24], [sflag:$0x5], $0x1400, $0x38;
	[tilespmem:$0x16180] =	vst v63  }
0x46: {  	_ =	swait.ge [sflag:s21], $0x1400  }
0x47: {  	[sflag:s21] =	ssyncset.done $0x0  }
0x48: {  	[sflag:s21] =	ssyncadd.s32 $0xFFFFEC00  }
0x49: {  	[spmem:s15] =	stream.linear.scatter [tilespmem:s24], [sflag:$0x5], $0x1000, $0x38;
	[tilespmem:$0x16180] =	vst v63  }
0x4a: {  	_ =	swait.ge [sflag:s21], $0x1000  }
0x4b: {  	[sflag:s21] =	ssyncset.done $0x0  }
0x4c: {  	s5 =	simm.s32 @!p0 $0x7620;
	[sflag:s21] =	ssyncadd.s32 $0xFFFFF000  }
0x4d: {  	[spmem:s16] =	stream.linear.scatter @!p0 [tilespmem:s5], [sflag:$0x5], $0x400, $0x38;
	[tilespmem:$0x16180] =	vst v63  }
0x4e: {  	s5 =	simm.s32 @!p0 $0x5  }
0x4f: {  	_ =	swait.ge @!p0 [sflag:s5], $0x400  }
0x50: {  	[sflag:s5] =	ssyncset.done @!p0 $0x0  }
0x51: {  	[sflag:s5] =	ssyncadd.s32 @!p0 $0xFFFFFC00  }
0x52: {  	[bflag:$0x0] =	sbarrier.arrive $0xFFFF  }
0x53: {  	[tilespmem:s26], [sflag:$0x1] =	stream.indirect.gather [hbm4b:s4+s25], $0x40, s22, s25, $0xb8;
	[tilespmem:$0x16180] =	vst v63  }
0x54: {  	s11 =	simm.s32 $0x2760;
	s6 =	simm.s32 $0x6220;
	s5 =	simm.s32 $0x0  }
0x55: {  	v1 =	vimm.f32 $0.0e+00;
	[tilespmem:s6], [sflag:$0x2] =	stream.indirect.gather [hbm4b:s4+s25], $0x40, s11, s25, $0xb8;
	[tilespmem:$0x16180] =	vst v63  }
.LBB2_4:
0x56: {  	_ =	swait.ge [sflag:s30], $0x1400  }
0x57: {  	[sflag:s30] =	ssyncset.done $0x0  }
0x58: {  	s7 =	simm.s32 $0x0;
	[sflag:s30] =	ssyncadd.s32 $0xFFFFEC00  }
0x59: {  	v2 =	vld [tilespmem:s7+$0x4E50]  }
0x5a: {  	v3 =	vld [tilespmem:s7+$0x4E20]  }
0x5b: {  	v4 =	vld [tilespmem:s7+$0x4E30]  }
0x5c: {  	s6 =	simm.s32 $0x100;
	v5 =	vld [tilespmem:s7+$0x4E40]  }
.LBB2_5:
0x5d: {  	p1 =	sne.s32 s6, $0x4F00  }
.Ltmp1:
0x5e: {  	s9 =	sshra.s32 s6, $0x2;
	s6 =	sadd.s32 $0x100, s6;
	[tilespmem:s7+$0x7650] =	vst v2;
	(pc) =	sbr.rel @p1 .LBB2_5-.Ltmp1, $4  }
0x5f: {  	v2 =	vld [tilespmem:s9+$0x4E50];
	[tilespmem:s7+$0x7620] =	vst v3  }
0x60: {  	v3 =	vld [tilespmem:s9+$0x4E20];
	[tilespmem:s7+$0x7630] =	vst v4  }
0x61: {  	v4 =	vld [tilespmem:s9+$0x4E30];
	[tilespmem:s7+$0x7640] =	vst v5;
	s7 =	smov.u32 s9  }
0x62: {  	v5 =	vld [tilespmem:s7+$0x4E40]  }
0x63: {  	_ = 	snop  }
0x64: {  	[tilespmem:s7+$0x7650] =	vst v2  }
0x65: {  	[tilespmem:s7+$0x7620] =	vst v3  }
0x66: {  	s6 =	smul.u32 $0xA0, s5;
	[tilespmem:s7+$0x7630] =	vst v4  }
0x67: {  	[tilespmem:s7+$0x7640] =	vst v5  }
0x68: {  	[spmem:s2] =	stream.indirect.scatter.add.bf16 [tilespmem:s24], [sflag:$0x3], $0x40, s6, s25, $0xb8;
	[tilespmem:$0x16180] =	vst v63  }
0x69: {  	v2 =	vld [tilespmem:s6+$0x0]  }
0x6a: {  	v3 =	vld [tilespmem:s6+$0x2710];
	_ =	sdelay $0x2  }
0x6b: {  	v4 =	vld [tilespmem:s6+$0x20]  }
0x6c: {  	v5 =	vld [tilespmem:s6+$0x2730]  }
0x6d: {  	v12 =	vld [tilespmem:s6+$0x30]  }
0x6e: {  	v13 =	vld [tilespmem:s6+$0x2740]  }
0x6f: {  	v9 =	vld.idx.msk [tilespmem:v2+s23+$0x0], $0xffff  }
0x70: {  	v8 =	vld.idx.msk [tilespmem:v3+s23+$0x0], $0xffff  }
0x71: {  	v2 =	vld [tilespmem:s6+$0x10]  }
0x72: {  	v3 =	vld [tilespmem:s6+$0x2720]  }
0x73: {  	v14 =	vld [tilespmem:s6+$0x40]  }
0x74: {  	v15 =	vld [tilespmem:s6+$0x2750]  }
0x75: {  	v7 =	vld.idx.msk [tilespmem:v4+s23+$0x0], $0xffff  }
0x76: {  	v6 =	vld.idx.msk [tilespmem:v5+s23+$0x0], $0xffff  }
0x77: {  	v5 =	vld.idx.msk [tilespmem:v12+s23+$0x0], $0xffff  }
0x78: {  	s11 =	smul.u32 $0x280, s5;
	v4 =	vld.idx.msk [tilespmem:v13+s23+$0x0], $0xffff  }
0x79: {  	v11 =	vld.idx.msk [tilespmem:v2+s23+$0x0], $0xffff  }
0x7a: {  	s7 =	sshra.s32 s11, $0x2;
	v10 =	vld.idx.msk [tilespmem:v3+s23+$0x0], $0xffff  }
0x7b: {  	s9 =	sadd.s32 $0x27B0, s7;
	v3 =	vld.idx.msk [tilespmem:v14+s23+$0x0], $0xffff  }
0x7c: {  	v2 =	vld.idx.msk [tilespmem:v15+s23+$0x0], $0xffff;
	[tilespmem:s26], [sflag:$0x1] =	stream.indirect.gather [hbm4b:s4+s25], $0x40, s9, s25, $0xb8  }
0x7d: {  	_ =	swait.ge [sflag:s31], $0x1400  }
0x7e: {  	[sflag:s31] =	ssyncset.done $0x0  }
0x7f: {  	s9 =	simm.s32 $0x0;
	[sflag:s31] =	ssyncadd.s32 $0xFFFFEC00  }
0x80: {  	v15 =	vld [tilespmem:s9+$0x6250]  }
0x81: {  	v13 =	vld [tilespmem:s9+$0x6220]  }
0x82: {  	v12 =	vld [tilespmem:s9+$0x6230]  }
0x83: {  	s10 =	simm.s32 $0x100;
	v14 =	vld [tilespmem:s9+$0x6240]  }
.LBB2_7:
0x84: {  	p1 =	sne.s32 s10, $0x4F00  }
.Ltmp2:
0x85: {  	s11 =	sshra.s32 s10, $0x2;
	s10 =	sadd.s32 $0x100, s10;
	[tilespmem:s9+$0x8A50] =	vst v15;
	(pc) =	sbr.rel @p1 .LBB2_7-.Ltmp2, $4  }
0x86: {  	v15 =	vld [tilespmem:s11+$0x6250];
	[tilespmem:s9+$0x8A20] =	vst v13  }
0x87: {  	v13 =	vld [tilespmem:s11+$0x6220];
	[tilespmem:s9+$0x8A30] =	vst v12  }
0x88: {  	v12 =	vld [tilespmem:s11+$0x6230];
	[tilespmem:s9+$0x8A40] =	vst v14;
	s9 =	smov.u32 s11  }
0x89: {  	v14 =	vld [tilespmem:s9+$0x6240]  }
0x8a: {  	v9 =	vshll.u32 v9, $0x10  }
0x8b: {  	v1 =	vadd.f32 v9, v1  }
0x8c: {  	v8 =	vand.u32 $0xFFFF0000, v8;
	[tilespmem:s9+$0x8A50] =	vst v15  }
0x8d: {  	[tilespmem:s9+$0x8A20] =	vst v13;
	v1 =	vadd.f32 v8, v1  }
0x8e: {  	v51 =	vshll.u32 v11, $0x10;
	[tilespmem:s9+$0x8A30] =	vst v12  }
0x8f: {  	s11 =	sadd.s32 $0x50, s6;
	[tilespmem:s9+$0x8A40] =	vst v14;
	v1 =	vadd.f32 v51, v1  }
0x90: {  	v52 =	vand.u32 $0xFFFF0000, v10;
	[spmem:s2] =	stream.indirect.scatter.add.bf16 [tilespmem:s1], [sflag:$0x4], $0x40, s11, s25, $0xb8;
	[tilespmem:$0x16180] =	vst v63  }
0x91: {  	v53 =	vld [tilespmem:s6+$0x50];
	v1 =	vadd.f32 v52, v1  }
0x92: {  	v7 =	vshll.u32 v7, $0x10;
	v54 =	vld [tilespmem:s6+$0x2760]  }
0x93: {  	v1 =	vadd.f32 v7, v1  }
0x94: {  	v6 =	vand.u32 $0xFFFF0000, v6;
	v55 =	vld [tilespmem:s6+$0x60]  }
0x95: {  	v1 =	vadd.f32 v6, v1  }
0x96: {  	v5 =	vshll.u32 v5, $0x10  }
0x97: {  	v56 =	vld [tilespmem:s6+$0x2770];
	v1 =	vadd.f32 v5, v1  }
0x98: {  	v4 =	vand.u32 $0xFFFF0000, v4;
	v57 =	vld [tilespmem:s6+$0x70]  }
0x99: {  	v58 =	vld.idx.msk [tilespmem:v53+s23+$0x0], $0xffff;
	v1 =	vadd.f32 v4, v1  }
0x9a: {  	v3 =	vshll.u32 v3, $0x10;
	v59 =	vld.idx.msk [tilespmem:v54+s23+$0x0], $0xffff  }
0x9b: {  	v1 =	vadd.f32 v3, v1;
	v3 =	vld [tilespmem:s6+$0x2780]  }
0x9c: {  	v2 =	vand.u32 $0xFFFF0000, v2;
	v7 =	vld.idx.msk [tilespmem:v55+s23+$0x0], $0xffff  }
0x9d: {  	v1 =	vadd.f32 v2, v1;
	v2 =	vld [tilespmem:s6+$0x80]  }
0x9e: {  	v60 =	vld [tilespmem:s6+$0x2790];
	v4 =	vshll.u32 v58, $0x10  }
0x9f: {  	v6 =	vld.idx.msk [tilespmem:v56+s23+$0x0], $0xffff;
	v1 =	vadd.f32 v4, v1  }
0xa0: {  	v61 =	vld [tilespmem:s6+$0x90];
	v8 =	vand.u32 $0xFFFF0000, v59  }
0xa1: {  	v5 =	vld.idx.msk [tilespmem:v57+s23+$0x0], $0xffff;
	v1 =	vadd.f32 v8, v1  }
0xa2: {  	v62 =	vld [tilespmem:s6+$0x27A0];
	v7 =	vshll.u32 v7, $0x10  }
0xa3: {  	v1 =	vadd.f32 v7, v1;
	v3 =	vld.idx.msk [tilespmem:v3+s23+$0x0], $0xffff  }
0xa4: {  	v6 =	vand.u32 $0xFFFF0000, v6  }
0xa5: {  	v1 =	vadd.f32 v6, v1;
	v2 =	vld.idx.msk [tilespmem:v2+s23+$0x0], $0xffff  }
0xa6: {  	v5 =	vshll.u32 v5, $0x10  }
0xa7: {  	v4 =	vld.idx.msk [tilespmem:v60+s23+$0x0], $0xffff;
	v1 =	vadd.f32 v5, v1  }
0xa8: {  	v3 =	vand.u32 $0xFFFF0000, v3  }
0xa9: {  	p1 =	seq.s32 s5, $0x3D;
	s5 =	sadd.s32 $0x1, s5;
	v1 =	vadd.f32 v3, v1;
	v3 =	vld.idx.msk [tilespmem:v61+s23+$0x0], $0xffff  }
0xaa: {  	s9 =	simm.s32 @!p1 $0x6220;
	s6 =	sadd.s32 @!p1 $0x2800, s7;
	s7 =	simm.s32 @!p1 $0x50;
	v2 =	vshll.u32 v2, $0x10  }
0xab: {  	v63 =	vld.idx.msk [tilespmem:v62+s23+$0x0], $0xffff;
	[tilespmem:s9], [sflag:$0x2] =	stream.indirect.gather @!p1 [hbm4b:s4+s7], $0x40, s6, s7, $0xb8;
	v1 =	vadd.f32 v2, v1  }
0xac: {  	p1 =	sne.s32 s5, $0x3E;
	_ =	swait.ge [sflag:s0], $0x1400;
	v2 =	vand.u32 $0xFFFF0000, v4  }
.Ltmp3:
0xad: {  	[sflag:s0] =	ssyncset.done $0x0;
	v1 =	vadd.f32 v2, v1;
	(pc) =	sbr.rel @p1 .LBB2_4-.Ltmp3, $4  }
0xae: {  	[sflag:s0] =	ssyncadd.s32 $0xFFFFEC00;
	v2 =	vshll.u32 v3, $0x10  }
0xaf: {  	_ =	swait.ge [sflag:s28], $0x1400;
	v1 =	vadd.f32 v2, v1  }
0xb0: {  	[sflag:s28] =	ssyncset.done $0x0;
	v2 =	vand.u32 $0xFFFF0000, v63  }
0xb1: {  	[sflag:s28] =	ssyncadd.s32 $0xFFFFEC00;
	v1 =	vadd.f32 v2, v1  }
0xb2: {  	_ =	swait.ge [sflag:s30], $0x1400  }
0xb3: {  	[sflag:s30] =	ssyncset.done $0x0  }
0xb4: {  	s5 =	simm.s32 $0x0;
	[sflag:s30] =	ssyncadd.s32 $0xFFFFEC00  }
0xb5: {  	v2 =	vld [tilespmem:s5+$0x4E50]  }
0xb6: {  	v3 =	vld [tilespmem:s5+$0x4E20]  }
0xb7: {  	v4 =	vld [tilespmem:s5+$0x4E30]  }
0xb8: {  	s6 =	simm.s32 $0x100;
	v5 =	vld [tilespmem:s5+$0x4E40]  }
.LBB2_10:
0xb9: {  	p1 =	sne.s32 s6, $0x4F00  }
.Ltmp4:
0xba: {  	s7 =	sshra.s32 s6, $0x2;
	s6 =	sadd.s32 $0x100, s6;
	[tilespmem:s5+$0x7650] =	vst v2;
	(pc) =	sbr.rel @p1 .LBB2_10-.Ltmp4, $4  }
0xbb: {  	v2 =	vld [tilespmem:s7+$0x4E50];
	[tilespmem:s5+$0x7620] =	vst v3  }
0xbc: {  	v3 =	vld [tilespmem:s7+$0x4E20];
	[tilespmem:s5+$0x7630] =	vst v4  }
0xbd: {  	v4 =	vld [tilespmem:s7+$0x4E30];
	[tilespmem:s5+$0x7640] =	vst v5;
	s5 =	smov.u32 s7  }
0xbe: {  	v5 =	vld [tilespmem:s5+$0x4E40]  }
0xbf: {  	_ = 	snop  }
0xc0: {  	[tilespmem:s5+$0x7650] =	vst v2  }
0xc1: {  	[tilespmem:s5+$0x7620] =	vst v3  }
0xc2: {  	[tilespmem:s5+$0x7630] =	vst v4  }
0xc3: {  	s9 =	simm.s32 $0x26C0;
	[tilespmem:s5+$0x7640] =	vst v5  }
0xc4: {  	[spmem:s2] =	stream.indirect.scatter.add.bf16 [tilespmem:s24], [sflag:$0x3], $0x40, s9, s25, $0xb8;
	[tilespmem:$0x16180] =	vst v63  }
0xc5: {  	v2 =	vld [tilespmem:$0x26C0];
	_ =	sdelay $0x1  }
0xc6: {  	v3 =	vld [tilespmem:$0x4DD0];
	_ =	sdelay $0x1  }
0xc7: {  	v4 =	vld [tilespmem:$0x26D0]  }
0xc8: {  	v5 =	vld [tilespmem:$0x4DE0];
	_ =	sdelay $0x1  }
0xc9: {  	v6 =	vld [tilespmem:$0x26E0]  }
0xca: {  	v2 =	vld.idx.msk [tilespmem:v2+s23+$0x0], $0xffff  }
0xcb: {  	v7 =	vld [tilespmem:$0x4DF0]  }
0xcc: {  	v3 =	vld.idx.msk [tilespmem:v3+s23+$0x0], $0xffff  }
0xcd: {  	v8 =	vld [tilespmem:$0x26F0]  }
0xce: {  	v4 =	vld.idx.msk [tilespmem:v4+s23+$0x0], $0xffff  }
0xcf: {  	v5 =	vld.idx.msk [tilespmem:v5+s23+$0x0], $0xffff;
	v2 =	vshll.u32 v2, $0x10  }
0xd0: {  	v1 =	vadd.f32 v2, v1;
	v2 =	vld [tilespmem:$0x4E00]  }
0xd1: {  	v6 =	vld.idx.msk [tilespmem:v6+s23+$0x0], $0xffff;
	v3 =	vand.u32 $0xFFFF0000, v3  }
0xd2: {  	v1 =	vadd.f32 v3, v1;
	v3 =	vld [tilespmem:$0x2700]  }
0xd3: {  	v61 =	vld [tilespmem:$0x4E10];
	v4 =	vshll.u32 v4, $0x10  }
0xd4: {  	v7 =	vld.idx.msk [tilespmem:v7+s23+$0x0], $0xffff;
	v1 =	vadd.f32 v4, v1  }
0xd5: {  	v5 =	vand.u32 $0xFFFF0000, v5  }
0xd6: {  	v62 =	vld.idx.msk [tilespmem:v8+s23+$0x0], $0xffff;
	v1 =	vadd.f32 v5, v1  }
0xd7: {  	v6 =	vshll.u32 v6, $0x10  }
0xd8: {  	v1 =	vadd.f32 v6, v1;
	v2 =	vld.idx.msk [tilespmem:v2+s23+$0x0], $0xffff  }
0xd9: {  	v63 =	vand.u32 $0xFFFF0000, v7  }
0xda: {  	v1 =	vadd.f32 v63, v1;
	v3 =	vld.idx.msk [tilespmem:v3+s23+$0x0], $0xffff  }
0xdb: {  	v5 =	vshll.u32 v62, $0x10  }
0xdc: {  	v4 =	vld.idx.msk [tilespmem:v61+s23+$0x0], $0xffff;
	v1 =	vadd.f32 v5, v1  }
0xdd: {  	v2 =	vand.u32 $0xFFFF0000, v2  }
0xde: {  	v1 =	vadd.f32 v2, v1  }
0xdf: {  	v2 =	vshll.u32 v3, $0x10  }
0xe0: {  	v1 =	vadd.f32 v2, v1  }
0xe1: {  	_ =	swait.ge [sflag:s0], $0x1400;
	v2 =	vand.u32 $0xFFFF0000, v4  }
0xe2: {  	[sflag:s0] =	ssyncset.done $0x0;
	v1 =	vadd.f32 v2, v1  }
0xe3: {  	[sflag:s0] =	ssyncadd.s32 $0xFFFFEC00  }
0xe4: {  	s10 =	simm.s32 $0x16170;
	[tilespmem:$0x16170] =	vst v1  }
0xe5: {  	[hbm4b:s17+s3] =	stream.linear.scatter [tilespmem:s10], [sflag:$0x5], $0x10, $0x38;
	[tilespmem:$0x16180] =	vst v63  }
0xe6: {  	_ =	swait.ge [sflag:s21], $0x10  }
0xe7: {  	s11 =	stileid.u32;
	[sflag:s21] =	ssyncset.done $0x0  }
0xe8: {  	s5 =	sshll.u32 s11, $0x6;
	[sflag:s21] =	ssyncadd.s32 $0xFFFFFFF0  }
0xe9: {  	s6 =	sshrl.u32 s8, $0x3;
	s5 =	sor.u32 $0x1C05, s5;
	[bflag:$0x0] =	sbarrier.arrive $0xFFFF  }
0xea: {  	[hbm:s18], [sflag:s5] =	dma.local [spmem:s6], $0x1380  }
0xeb: {  	_ =	swait.ge [sflag:s21], $0x1380  }
0xec: {  	s29 =	sadd.s32 $0x1, s29;
	[sflag:s21] =	ssyncset.done $0x0  }
0xed: {  	p1 =	sne.s32 s29, s20;
	s6 =	sshrl.u32 @!p0 s16, $0x3;
	[sflag:s21] =	ssyncadd.s32 $0xFFFFEC80  }
0xee: {  	[hbm:s19], [sflag:s5] =	dma.local @!p0 [spmem:s6], $0x80  }
.Ltmp5:
0xef: {  	_ = 	snop;
	(pc) =	sbr.rel @p1 .LBB2_1-.Ltmp5, $4  }
0xf0: {  	s5 =	simm.s32 @!p0 $0x5  }
0xf1: {  	_ =	swait.ge @!p0 [sflag:s5], $0x80  }
0xf2: {  	[sflag:s5] =	ssyncset.done @!p0 $0x0  }
0xf3: {  	[sflag:s5] =	ssyncadd.s32 @!p0 $0xFFFFFF80  }
0xf4: {  	_ =	sfence.sel $0x180000  }
0xf5: {  	[bflag:$0x0] =	sbarrier.arrive $0xFFFF  }
0xf6: {  	_ =	strace $0x90000047  }
0xf7: {  	[bflag:$0x2] =	sbarrier.arrive $0xFFFF  }
0xf8: {  	s0 =	rddreg [dreg:$0x2]  }
0xf9: {  	s0 =	sadd.s32 @!p0 $0x100000, s0  }
0xfa: {  	[sflag:s0] =	ssyncadd.tile.s32 @!p0 $0x1;
	_ =	shalt  }
.Lfunc_end2:
_tile_overlayer_lowered:
.L_overlay_start_2:
0xfb: {  	(tag) =	ssettag $0x2  }
0xfc: {  	s0 =	rddreg [dreg:$0x0];
	s2 =	stileid.u32  }
0xfd: {  	s1 =	rddreg [dreg:$0x1];
	p0 =	sne.s32 s2, $0x0  }
0xfe: {  	s3 =	rddreg [dreg:$0x2];
	[bflag:$0x3] =	sbarrier.arrive $0xFFFF;
	s2 =	simm.s32 @!p0 $0x1C05  }
0xff: {  	[timem:s3], [sflag:s2] =	dma.local @!p0 [hbm:s0], s1  }
0x100: {  	s0 =	simm.s32 @!p0 $0x5  }
0x101: {  	_ =	swait.ge @!p0 [sflag:s0], s1  }
0x102: {  	s1 =	ssub.s32 @!p0 $0x0, s1;
	[sflag:s0] =	ssyncset.done @!p0 $0x0  }
0x103: {  	[sflag:s0] =	ssyncadd.s32 @!p0 s1  }
0x104: {  	[bflag:$0x3] =	sbarrier.arrive $0xFFFF  }
0x105: {  	_ =	shalt  }

</sc_bundles>
